<compile_context>
chip_gen: v7x
topology: tpu7x:2x2x1
jax: 0.10.2.dev20260603
libtpu: 0.0.44.dev20260713+nightly
codegen_flags: <defaults>
</compile_context>

<pallas_src>
import functools

import jax
import jax.numpy as jnp
from jax import lax
from jax.experimental import pallas as pl
from jax.experimental.pallas import tpu as pltpu
from jax.experimental.pallas import tpu_sc as plsc

_B = 16384
_D = 64
_H1 = 256
_H2 = 128
_EPS = 1e-5
_BM = 4096



@functools.lru_cache(maxsize=1)
def _make_sc_gather():
    info = plsc.get_sparse_core_info()
    nc, ns = info.num_cores, info.num_subcores
    nw = nc * ns
    bpw = _B // nw
    mesh = plsc.VectorSubcoreMesh(core_axis_name="c", subcore_axis_name="s")

    @functools.partial(
        pl.kernel,
        mesh=mesh,
        compiler_params=pltpu.CompilerParams(needs_layout_passes=False),
        out_type=[
            jax.ShapeDtypeStruct((_B, _D), jnp.float32),
            jax.ShapeDtypeStruct((_B, _D), jnp.float32),
        ],
        scratch_types=[
            pltpu.VMEM((bpw,), jnp.int32),
            pltpu.VMEM((bpw, _D), jnp.float32),
            pltpu.SemaphoreType.DMA,
            pltpu.SemaphoreType.DMA,
            pltpu.SemaphoreType.DMA,
        ],
    )
    def gather_k(tid_hbm, aid_hbm, ttab_hbm, atab_hbm, t_out, a_out,
                 ids_v, rows_v, gsem, wsem_t, wsem_a):
        wid = lax.axis_index("s") * nc + lax.axis_index("c")
        base = wid * bpw
        lane = lax.iota(jnp.int32, 16)

        def gather_table(id_hbm, tab_hbm, out_hbm, wsem):
            pltpu.sync_copy(id_hbm.at[pl.ds(base, bpw)], ids_v)

            def fire16(g, carry):
                ids16 = ids_v[pl.ds(g * 16, 16)]
                for j in range(16):
                    rid = jnp.sum(jnp.where(lane == j, ids16, 0))
                    blk = lax.shift_right_logical(rid, 3)
                    sub = rid & 7
                    pltpu.async_copy(
                        tab_hbm.at[blk, sub], rows_v.at[g * 16 + j], gsem)
                return carry

            lax.fori_loop(0, bpw // 16, fire16, 0)

            def drain(i, carry):
                pltpu.make_async_copy(
                    tab_hbm.at[0, 0], rows_v.at[0], gsem).wait()
                return carry

            lax.fori_loop(0, bpw, drain, 0)
            return pltpu.async_copy(rows_v, out_hbm.at[pl.ds(base, bpw)], wsem)

        wt = gather_table(tid_hbm, ttab_hbm, t_out, wsem_t)
        wt.wait()
        wa = gather_table(aid_hbm, atab_hbm, a_out, wsem_a)
        wa.wait()

    return gather_k



def _dot_t(x_t, w):
    return lax.dot_general(x_t[...], w[...], (((0,), (0,)), ((), ())),
                           preferred_element_type=jnp.float32)


def _proj_body(genre_t, audio_t, temporal_t,
               gw, gb, auw, aub, tew, teb,
               w1g, w1au, w1te, b1, p_out):
    g = jax.nn.relu(_dot_t(genre_t, gw) + gb[...])
    au = jax.nn.relu(_dot_t(audio_t, auw) + aub[...])
    te = jax.nn.relu(_dot_t(temporal_t, tew) + teb[...])
    p_out[...] = (jnp.dot(g, w1g[...], preferred_element_type=jnp.float32)
                  + jnp.dot(au, w1au[...], preferred_element_type=jnp.float32)
                  + jnp.dot(te, w1te[...], preferred_element_type=jnp.float32)
                  + b1[...])


def _fused_body(t, a, p, w1t, w1a, g1, be1, w2, b2, g2, be2,
                out, y1_s, y2_s, s1, ss1, s2, ss2):
    ph = pl.program_id(0)
    i = pl.program_id(1)
    rows = pl.ds(i * _BM, _BM)

    @pl.when(jnp.logical_and(ph == 0, i == 0))
    def _():
        s1[...] = jnp.zeros_like(s1)
        ss1[...] = jnp.zeros_like(ss1)
        s2[...] = jnp.zeros_like(s2)
        ss2[...] = jnp.zeros_like(ss2)

    @pl.when(ph == 0)
    def _():
        y = (p[...]
             + jnp.dot(t[...], w1t[...], preferred_element_type=jnp.float32)
             + jnp.dot(a[...], w1a[...], preferred_element_type=jnp.float32))
        y1_s[rows, :] = y
        s1[...] += jnp.sum(y, axis=0, keepdims=True)
        ss1[...] += jnp.sum(y * y, axis=0, keepdims=True)

    @pl.when(ph == 1)
    def _():
        mu = s1[...] * (1.0 / _B)
        var = ss1[...] * (1.0 / _B) - mu * mu
        scale = g1[...] * lax.rsqrt(var + _EPS)
        h = jax.nn.relu((y1_s[rows, :] - mu) * scale + be1[...])
        y = jnp.dot(h, w2[...], preferred_element_type=jnp.float32) + b2[...]
        y2_s[rows, :] = y
        s2[...] += jnp.sum(y, axis=0, keepdims=True)
        ss2[...] += jnp.sum(y * y, axis=0, keepdims=True)

    @pl.when(ph == 2)
    def _():
        mu = s2[...] * (1.0 / _B)
        var = ss2[...] * (1.0 / _B) - mu * mu
        scale = g2[...] * lax.rsqrt(var + _EPS)
        out[...] = jax.nn.relu((y2_s[rows, :] - mu) * scale + be2[...])


def _full_spec2(m, n):
    return pl.BlockSpec((m, n), lambda p, i: (0, 0))


def _tower(t, a, genre, audio, temporal,
           genre_W, genre_b, audio_W, audio_b, temporal_W, temporal_b,
           W1, b1, g1, be1, W2, b2, g2, be2):
    nb = _B // _BM
    w1t, w1a, w1g, w1au, w1te = (W1[0:64], W1[64:128], W1[128:192],
                                 W1[192:256], W1[256:320])
    row2 = lambda v: v.reshape(1, -1)

    p = pl.pallas_call(
        _proj_body,
        grid=(nb,),
        in_specs=[
            pl.BlockSpec((32, _BM), lambda i: (0, i)),
            pl.BlockSpec((16, _BM), lambda i: (0, i)),
            pl.BlockSpec((8, _BM), lambda i: (0, i)),
            pl.BlockSpec((32, _D), lambda i: (0, 0)),
            pl.BlockSpec((1, _D), lambda i: (0, 0)),
            pl.BlockSpec((16, _D), lambda i: (0, 0)),
            pl.BlockSpec((1, _D), lambda i: (0, 0)),
            pl.BlockSpec((8, _D), lambda i: (0, 0)),
            pl.BlockSpec((1, _D), lambda i: (0, 0)),
            pl.BlockSpec((_D, _H1), lambda i: (0, 0)),
            pl.BlockSpec((_D, _H1), lambda i: (0, 0)),
            pl.BlockSpec((_D, _H1), lambda i: (0, 0)),
            pl.BlockSpec((1, _H1), lambda i: (0, 0)),
        ],
        out_specs=pl.BlockSpec((_BM, _H1), lambda i: (i, 0)),
        out_shape=jax.ShapeDtypeStruct((_B, _H1), jnp.float32),
    )(genre.T, audio.T, temporal.T,
      genre_W, row2(genre_b), audio_W, row2(audio_b),
      temporal_W, row2(temporal_b), w1g, w1au, w1te, row2(b1))

    out = pl.pallas_call(
        _fused_body,
        grid=(3, nb),
        in_specs=[
            pl.BlockSpec((_BM, _D), lambda p, i: (jnp.where(p == 0, i, 0), 0)),
            pl.BlockSpec((_BM, _D), lambda p, i: (jnp.where(p == 0, i, 0), 0)),
            pl.BlockSpec((_BM, _H1),
                         lambda p, i: (jnp.where(p == 0, i, 0), 0)),
            _full_spec2(_D, _H1), _full_spec2(_D, _H1),
            _full_spec2(1, _H1), _full_spec2(1, _H1),
            _full_spec2(_H1, _H2), _full_spec2(1, _H2),
            _full_spec2(1, _H2), _full_spec2(1, _H2),
        ],
        out_specs=pl.BlockSpec((_BM, _H2),
                               lambda p, i: (jnp.where(p == 2, i, 0), 0)),
        out_shape=jax.ShapeDtypeStruct((_B, _H2), jnp.float32),
        scratch_shapes=[
            pltpu.VMEM((_B, _H1), jnp.float32),
            pltpu.VMEM((_B, _H2), jnp.float32),
            pltpu.VMEM((1, _H1), jnp.float32),
            pltpu.VMEM((1, _H1), jnp.float32),
            pltpu.VMEM((1, _H2), jnp.float32),
            pltpu.VMEM((1, _H2), jnp.float32),
        ],
        compiler_params=pltpu.CompilerParams(
            vmem_limit_bytes=56 * 1024 * 1024,
            dimension_semantics=("arbitrary", "arbitrary"),
        ),
    )(t, a, p, w1t, w1a, row2(g1), row2(be1), W2, row2(b2),
      row2(g2), row2(be2))
    return out


def kernel(track_id, artist, genre, audio_features, temporal,
           track_table, artist_table,
           genre_W, genre_b, audio_W, audio_b, temporal_W, temporal_b,
           W1, b1, g1, be1, W2, b2, g2, be2):
    t, a = _make_sc_gather()(track_id.astype(jnp.int32),
                             artist.astype(jnp.int32),
                             track_table.reshape(-1, 8, _D),
                             artist_table.reshape(-1, 8, _D))
    return _tower(t, a, genre, audio_features, temporal,
                  genre_W, genre_b, audio_W, audio_b, temporal_W, temporal_b,
                  W1, b1, g1, be1, W2, b2, g2, be2)

# --- scband reference (transcript-rebuilt; emitter-appended) ---
"""Pipeline reference for scband-item-tower-33414845562938 (READ-ONLY COPY).

The authoritative reference and input builder live on the scoring server;
editing this copy changes nothing except your own understanding.
"""

import jax, jax.numpy as jnp
import numpy as np

B = 16384
D = 64
TRACK_V = 1000000
ARTIST_V = 100000
GENRE_D = 32
AUDIO_D = 16
TEMP_D = 8
H1 = 256
H2 = 128
CONCAT = 5 * D


def _bn(x, gamma, beta, eps=1e-5):
    mu = jnp.mean(x, axis=0, keepdims=True)
    var = jnp.mean((x - mu) ** 2, axis=0, keepdims=True)
    return gamma * (x - mu) / jnp.sqrt(var + eps) + beta


def setup_inputs(seed: int = 0) -> dict:
    key = jax.random.key(seed)
    ks = jax.random.split(key, 24)
    inp = {}
    inp["track_id"] = jax.random.randint(ks[0], (B,), 0, TRACK_V)
    inp["artist"] = jax.random.randint(ks[1], (B,), 0, ARTIST_V)
    inp["genre"] = jax.random.normal(ks[2], (B, GENRE_D), jnp.float32)
    inp["audio_features"] = jax.random.normal(ks[3], (B, AUDIO_D), jnp.float32)
    inp["temporal"] = jax.random.normal(ks[4], (B, TEMP_D), jnp.float32)
    # embedding tables (padding_idx=0 -> zero row)
    inp["track_table"] = (jax.random.normal(ks[5], (TRACK_V, D), jnp.float32) * 0.02).at[0].set(0.0)
    inp["artist_table"] = (jax.random.normal(ks[6], (ARTIST_V, D), jnp.float32) * 0.02).at[0].set(0.0)
    inp["genre_W"] = jax.random.normal(ks[7], (GENRE_D, D), jnp.float32) * 0.1
    inp["genre_b"] = jnp.zeros((D,), jnp.float32)
    inp["audio_W"] = jax.random.normal(ks[8], (AUDIO_D, D), jnp.float32) * 0.1
    inp["audio_b"] = jnp.zeros((D,), jnp.float32)
    inp["temporal_W"] = jax.random.normal(ks[9], (TEMP_D, D), jnp.float32) * 0.1
    inp["temporal_b"] = jnp.zeros((D,), jnp.float32)
    inp["W1"] = jax.random.normal(ks[10], (CONCAT, H1), jnp.float32) * (1.0 / np.sqrt(CONCAT))
    inp["b1"] = jnp.zeros((H1,), jnp.float32)
    inp["g1"] = jnp.ones((H1,), jnp.float32)
    inp["be1"] = jnp.zeros((H1,), jnp.float32)
    inp["W2"] = jax.random.normal(ks[11], (H1, H2), jnp.float32) * (1.0 / np.sqrt(H1))
    inp["b2"] = jnp.zeros((H2,), jnp.float32)
    inp["g2"] = jnp.ones((H2,), jnp.float32)
    inp["be2"] = jnp.zeros((H2,), jnp.float32)
    return inp


def reference(track_id, artist, genre, audio_features, temporal,
              track_table, artist_table,
              genre_W, genre_b, audio_W, audio_b, temporal_W, temporal_b,
              W1, b1, g1, be1, W2, b2, g2, be2):
    t = jnp.take(track_table, track_id, axis=0)
    a = jnp.take(artist_table, artist, axis=0)
    g = jax.nn.relu(genre @ genre_W + genre_b)
    au = jax.nn.relu(audio_features @ audio_W + audio_b)
    te = jax.nn.relu(temporal @ temporal_W + temporal_b)
    combined = jnp.concatenate([t, a, g, au, te], axis=1)
    h = jax.nn.relu(_bn(combined @ W1 + b1, g1, be1))
    h = jax.nn.relu(_bn(h @ W2 + b2, g2, be2))
    return h

if __name__ == "__main__":
    import jax
    _d = setup_inputs()
    print(jax.jit(kernel)(*tuple(_d.values())))

</pallas_src>

<mosaic_0001>
#map = affine_map<(d0, d1) -> (0)>
#map1 = affine_map<(d0, d1) -> (0, 0, 0)>
#map2 = affine_map<(d0, d1) -> (0, 0)>
module attributes {stable_mosaic.version = 14 : i64} {
  func.func @gather_k(%arg0: i32, %arg1: i32, %arg2: memref<16384xi32, #tpu.memory_space<hbm>>, %arg3: memref<16384xi32, #tpu.memory_space<hbm>>, %arg4: memref<125000x8x64xf32, #tpu.memory_space<hbm>>, %arg5: memref<12500x8x64xf32, #tpu.memory_space<hbm>>, %arg6: memref<16384x64xf32, #tpu.memory_space<hbm>>, %arg7: memref<16384x64xf32, #tpu.memory_space<hbm>>, %arg8: memref<512xi32, #tpu.memory_space<vmem>>, %arg9: memref<512x64xf32, #tpu.memory_space<vmem>>, %arg10: memref<!tpu.dma_semaphore, #tpu.memory_space<semaphore_mem>>, %arg11: memref<!tpu.dma_semaphore, #tpu.memory_space<semaphore_mem>>, %arg12: memref<!tpu.dma_semaphore, #tpu.memory_space<semaphore_mem>>) attributes {dimension_semantics = [#tpu.dimension_semantics<core_parallel>, #tpu.dimension_semantics<subcore_parallel>], iteration_bounds = array<i64: 2, 16>, scalar_prefetch = 0 : i64, scratch_operands = 5 : i64, tpu.core_type = #tpu.core_type<sc_vector_subcore>, window_params = [{transform_indices = #map}, {transform_indices = #map}, {transform_indices = #map1}, {transform_indices = #map1}, {transform_indices = #map2}, {transform_indices = #map2}]} {
    %mul3A = arith.constant 2 : i32
    %mul3A_0 = arith.muli %arg1, %mul3A : i32
    %add3A = arith.addi %mul3A_0, %arg0 : i32
    %mul3A_1 = arith.constant 512 : i32
    %mul3A_2 = arith.muli %add3A, %mul3A_1 : i32
    %iota3A = tpu.iota {dimensions = array<i32: 0>} : vector<16xi32>
    "tpu.region"() ({
      %run_scoped3A = tpu.sem_alloc : memref<!tpu.dma_semaphore, #tpu.memory_space<semaphore_mem>>
      %dma_start3A_40 = tpu.memref_slice %arg2[%mul3A_2] : memref<16384xi32, #tpu.memory_space<hbm>> -> memref<512xi32, #tpu.memory_space<hbm>>
      %dma_start3A_41 = tpu.memref_slice %arg2[%mul3A_2] : memref<16384xi32, #tpu.memory_space<hbm>> -> memref<512xi32, #tpu.memory_space<hbm>>
      tpu.enqueue_dma source(%dma_start3A_41 : memref<512xi32, #tpu.memory_space<hbm>>) target(%arg8 : memref<512xi32, #tpu.memory_space<vmem>>) target_semaphore(%run_scoped3A : memref<!tpu.dma_semaphore, #tpu.memory_space<semaphore_mem>>)
      %dma_wait3A_42 = tpu.memref_slice %arg2[%mul3A_2] : memref<16384xi32, #tpu.memory_space<hbm>> -> memref<512xi32, #tpu.memory_space<hbm>>
      %dma_wait3A_43 = tpu.memref_slice %arg2[%mul3A_2] : memref<16384xi32, #tpu.memory_space<hbm>> -> memref<512xi32, #tpu.memory_space<hbm>>
      tpu.wait_dma2 semaphore(%run_scoped3A : memref<!tpu.dma_semaphore, #tpu.memory_space<semaphore_mem>>) src(%dma_wait3A_43 : memref<512xi32, #tpu.memory_space<hbm>>) dst(%arg8 : memref<512xi32, #tpu.memory_space<vmem>>)
      tpu.yield
    }) : () -> ()
    %scan3A = arith.constant 0 : i32
    %scan3A_3 = arith.constant 0 : i32
    %scan3A_4 = arith.constant 32 : i32
    %scan3A_5 = arith.addi %scan3A_3, %scan3A_4 : i32
    %scan3A_6 = arith.constant 1 : i32
    scf.for %scan3A_40 = %scan3A_3 to %scan3A_5 step %scan3A_6  : i32 {
      %mul3A_41 = arith.constant 16 : i32
      %mul3A_42 = arith.muli %scan3A_40, %mul3A_41 : i32
      %get3A = arith.index_cast %mul3A_42 : i32 to index
      %get3A_43 = tpu.vector_load %arg8[%get3A] {strides = array<i32>} : memref<512xi32, #tpu.memory_space<vmem>>, vector<16xi32>,
      %eq3A = arith.constant 0 : i32
      %eq3A_44 = vector.broadcast %eq3A : i32 to vector<16xi32>
      %eq3A_45 = arith.cmpi eq, %iota3A, %eq3A_44 : vector<16xi32>
      %jit3A = arith.constant 0 : i32
      %broadcast_in_dim3A = vector.broadcast %jit3A : i32 to vector<16xi32>
      %select_n3A = arith.select %eq3A_45, %get3A_43, %broadcast_in_dim3A : vector<16xi1>, vector<16xi32>
      %reduce_sum3A = arith.constant true
      %reduce_sum3A_46 = vector.broadcast %reduce_sum3A : i1 to vector<16xi1>
      %reduce_sum3A_47 = tpu.scan <sum>, %select_n3A masked %reduce_sum3A_46 : vector<16xi32>, vector<16xi1> -> vector<16xi32>
      %reduce_sum3A_48 = vector.extract %reduce_sum3A_47[15] : i32 from vector<16xi32>
      %shift_right_logical3A = arith.constant 3 : i32
      %shift_right_logical3A_49 = arith.shrui %reduce_sum3A_48, %shift_right_logical3A : i32
      %and3A = arith.constant 7 : i32
      %and3A_50 = arith.andi %reduce_sum3A_48, %and3A : i32
      %mul3A_51 = arith.constant 16 : i32
      %mul3A_52 = arith.muli %scan3A_40, %mul3A_51 : i32
      %add3A_53 = arith.constant 0 : i32
      %add3A_54 = arith.addi %mul3A_52, %add3A_53 : i32
      %dma_start3A_55 = arith.constant 0 : i32
      %dma_start3A_56 = tpu.memref_slice %arg9[%add3A_54, %dma_start3A_55] : memref<512x64xf32, #tpu.memory_space<vmem>> -> memref<1x64xf32, #tpu.memory_space<vmem>>
      %dma_start3A_57 = tpu.memref_squeeze %dma_start3A_56 : memref<1x64xf32, #tpu.memory_space<vmem>> -> memref<64xf32, #tpu.memory_space<vmem>>
      %dma_start3A_58 = arith.constant 0 : i32
      %dma_start3A_59 = tpu.memref_slice %arg4[%shift_right_logical3A_49, %and3A_50, %dma_start3A_58] : memref<125000x8x64xf32, #tpu.memory_space<hbm>> -> memref<1x1x64xf32, #tpu.memory_space<hbm>>
      %dma_start3A_60 = tpu.memref_squeeze %dma_start3A_59 : memref<1x1x64xf32, #tpu.memory_space<hbm>> -> memref<64xf32, #tpu.memory_space<hbm>>
      %dma_start3A_61 = arith.constant 0 : i32
      %dma_start3A_62 = tpu.memref_slice %arg9[%add3A_54, %dma_start3A_61] : memref<512x64xf32, #tpu.memory_space<vmem>> -> memref<1x64xf32, #tpu.memory_space<vmem>>
      %dma_start3A_63 = tpu.memref_squeeze %dma_start3A_62 : memref<1x64xf32, #tpu.memory_space<vmem>> -> memref<64xf32, #tpu.memory_space<vmem>>
      %dma_start3A_64 = arith.constant 0 : i32
      %dma_start3A_65 = tpu.memref_slice %arg4[%shift_right_logical3A_49, %and3A_50, %dma_start3A_64] : memref<125000x8x64xf32, #tpu.memory_space<hbm>> -> memref<1x1x64xf32, #tpu.memory_space<hbm>>
      %dma_start3A_66 = tpu.memref_squeeze %dma_start3A_65 : memref<1x1x64xf32, #tpu.memory_space<hbm>> -> memref<64xf32, #tpu.memory_space<hbm>>
      tpu.enqueue_dma source(%dma_start3A_66 : memref<64xf32, #tpu.memory_space<hbm>>) target(%dma_start3A_63 : memref<64xf32, #tpu.memory_space<vmem>>) target_semaphore(%arg10 : memref<!tpu.dma_semaphore, #tpu.memory_space<semaphore_mem>>)
      %eq3A_67 = arith.constant 1 : i32
      %eq3A_68 = vector.broadcast %eq3A_67 : i32 to vector<16xi32>
      %eq3A_69 = arith.cmpi eq, %iota3A, %eq3A_68 : vector<16xi32>
      %jit3A_70 = arith.constant 0 : i32
      %broadcast_in_dim3A_71 = vector.broadcast %jit3A_70 : i32 to vector<16xi32>
      %select_n3A_72 = arith.select %eq3A_69, %get3A_43, %broadcast_in_dim3A_71 : vector<16xi1>, vector<16xi32>
      %reduce_sum3A_73 = arith.constant true
      %reduce_sum3A_74 = vector.broadcast %reduce_sum3A_73 : i1 to vector<16xi1>
      %reduce_sum3A_75 = tpu.scan <sum>, %select_n3A_72 masked %reduce_sum3A_74 : vector<16xi32>, vector<16xi1> -> vector<16xi32>
      %reduce_sum3A_76 = vector.extract %reduce_sum3A_75[15] : i32 from vector<16xi32>
      %shift_right_logical3A_77 = arith.constant 3 : i32
      %shift_right_logical3A_78 = arith.shrui %reduce_sum3A_76, %shift_right_logical3A_77 : i32
      %and3A_79 = arith.constant 7 : i32
      %and3A_80 = arith.andi %reduce_sum3A_76, %and3A_79 : i32
      %mul3A_81 = arith.constant 16 : i32
      %mul3A_82 = arith.muli %scan3A_40, %mul3A_81 : i32
      %add3A_83 = arith.constant 1 : i32
      %add3A_84 = arith.addi %mul3A_82, %add3A_83 : i32
      %dma_start3A_85 = arith.constant 0 : i32
      %dma_start3A_86 = tpu.memref_slice %arg9[%add3A_84, %dma_start3A_85] : memref<512x64xf32, #tpu.memory_space<vmem>> -> memref<1x64xf32, #tpu.memory_space<vmem>>
      %dma_start3A_87 = tpu.memref_squeeze %dma_start3A_86 : memref<1x64xf32, #tpu.memory_space<vmem>> -> memref<64xf32, #tpu.memory_space<vmem>>
      %dma_start3A_88 = arith.constant 0 : i32
      %dma_start3A_89 = tpu.memref_slice %arg4[%shift_right_logical3A_78, %and3A_80, %dma_start3A_88] : memref<125000x8x64xf32, #tpu.memory_space<hbm>> -> memref<1x1x64xf32, #tpu.memory_space<hbm>>
      %dma_start3A_90 = tpu.memref_squeeze %dma_start3A_89 : memref<1x1x64xf32, #tpu.memory_space<hbm>> -> memref<64xf32, #tpu.memory_space<hbm>>
      %dma_start3A_91 = arith.constant 0 : i32
      %dma_start3A_92 = tpu.memref_slice %arg9[%add3A_84, %dma_start3A_91] : memref<512x64xf32, #tpu.memory_space<vmem>> -> memref<1x64xf32, #tpu.memory_space<vmem>>
      %dma_start3A_93 = tpu.memref_squeeze %dma_start3A_92 : memref<1x64xf32, #tpu.memory_space<vmem>> -> memref<64xf32, #tpu.memory_space<vmem>>
      %dma_start3A_94 = arith.constant 0 : i32
      %dma_start3A_95 = tpu.memref_slice %arg4[%shift_right_logical3A_78, %and3A_80, %dma_start3A_94] : memref<125000x8x64xf32, #tpu.memory_space<hbm>> -> memref<1x1x64xf32, #tpu.memory_space<hbm>>
      %dma_start3A_96 = tpu.memref_squeeze %dma_start3A_95 : memref<1x1x64xf32, #tpu.memory_space<hbm>> -> memref<64xf32, #tpu.memory_space<hbm>>
      tpu.enqueue_dma source(%dma_start3A_96 : memref<64xf32, #tpu.memory_space<hbm>>) target(%dma_start3A_93 : memref<64xf32, #tpu.memory_space<vmem>>) target_semaphore(%arg10 : memref<!tpu.dma_semaphore, #tpu.memory_space<semaphore_mem>>)
      %eq3A_97 = arith.constant 2 : i32
      %eq3A_98 = vector.broadcast %eq3A_97 : i32 to vector<16xi32>
      %eq3A_99 = arith.cmpi eq, %iota3A, %eq3A_98 : vector<16xi32>
      %jit3A_100 = arith.constant 0 : i32
      %broadcast_in_dim3A_101 = vector.broadcast %jit3A_100 : i32 to vector<16xi32>
      %select_n3A_102 = arith.select %eq3A_99, %get3A_43, %broadcast_in_dim3A_101 : vector<16xi1>, vector<16xi32>
      %reduce_sum3A_103 = arith.constant true
      %reduce_sum3A_104 = vector.broadcast %reduce_sum3A_103 : i1 to vector<16xi1>
      %reduce_sum3A_105 = tpu.scan <sum>, %select_n3A_102 masked %reduce_sum3A_104 : vector<16xi32>, vector<16xi1> -> vector<16xi32>
      %reduce_sum3A_106 = vector.extract %reduce_sum3A_105[15] : i32 from vector<16xi32>
      %shift_right_logical3A_107 = arith.constant 3 : i32
      %shift_right_logical3A_108 = arith.shrui %reduce_sum3A_106, %shift_right_logical3A_107 : i32
      %and3A_109 = arith.constant 7 : i32
      %and3A_110 = arith.andi %reduce_sum3A_106, %and3A_109 : i32
      %mul3A_111 = arith.constant 16 : i32
      %mul3A_112 = arith.muli %scan3A_40, %mul3A_111 : i32
      %add3A_113 = arith.constant 2 : i32
      %add3A_114 = arith.addi %mul3A_112, %add3A_113 : i32
      %dma_start3A_115 = arith.constant 0 : i32
      %dma_start3A_116 = tpu.memref_slice %arg9[%add3A_114, %dma_start3A_115] : memref<512x64xf32, #tpu.memory_space<vmem>> -> memref<1x64xf32, #tpu.memory_space<vmem>>
      %dma_start3A_117 = tpu.memref_squeeze %dma_start3A_116 : memref<1x64xf32, #tpu.memory_space<vmem>> -> memref<64xf32, #tpu.memory_space<vmem>>
      %dma_start3A_118 = arith.constant 0 : i32
      %dma_start3A_119 = tpu.memref_slice %arg4[%shift_right_logical3A_108, %and3A_110, %dma_start3A_118] : memref<125000x8x64xf32, #tpu.memory_space<hbm>> -> memref<1x1x64xf32, #tpu.memory_space<hbm>>
      %dma_start3A_120 = tpu.memref_squeeze %dma_start3A_119 : memref<1x1x64xf32, #tpu.memory_space<hbm>> -> memref<64xf32, #tpu.memory_space<hbm>>
      %dma_start3A_121 = arith.constant 0 : i32
      %dma_start3A_122 = tpu.memref_slice %arg9[%add3A_114, %dma_start3A_121] : memref<512x64xf32, #tpu.memory_space<vmem>> -> memref<1x64xf32, #tpu.memory_space<vmem>>
      %dma_start3A_123 = tpu.memref_squeeze %dma_start3A_122 : memref<1x64xf32, #tpu.memory_space<vmem>> -> memref<64xf32, #tpu.memory_space<vmem>>
      %dma_start3A_124 = arith.constant 0 : i32
      %dma_start3A_125 = tpu.memref_slice %arg4[%shift_right_logical3A_108, %and3A_110, %dma_start3A_124] : memref<125000x8x64xf32, #tpu.memory_space<hbm>> -> memref<1x1x64xf32, #tpu.memory_space<hbm>>
      %dma_start3A_126 = tpu.memref_squeeze %dma_start3A_125 : memref<1x1x64xf32, #tpu.memory_space<hbm>> -> memref<64xf32, #tpu.memory_space<hbm>>
      tpu.enqueue_dma source(%dma_start3A_126 : memref<64xf32, #tpu.memory_space<hbm>>) target(%dma_start3A_123 : memref<64xf32, #tpu.memory_space<vmem>>) target_semaphore(%arg10 : memref<!tpu.dma_semaphore, #tpu.memory_space<semaphore_mem>>)
      %eq3A_127 = arith.constant 3 : i32
      %eq3A_128 = vector.broadcast %eq3A_127 : i32 to vector<16xi32>
      %eq3A_129 = arith.cmpi eq, %iota3A, %eq3A_128 : vector<16xi32>
      %jit3A_130 = arith.constant 0 : i32
      %broadcast_in_dim3A_131 = vector.broadcast %jit3A_130 : i32 to vector<16xi32>
      %select_n3A_132 = arith.select %eq3A_129, %get3A_43, %broadcast_in_dim3A_131 : vector<16xi1>, vector<16xi32>
      %reduce_sum3A_133 = arith.constant true
      %reduce_sum3A_134 = vector.broadcast %reduce_sum3A_133 : i1 to vector<16xi1>
      %reduce_sum3A_135 = tpu.scan <sum>, %select_n3A_132 masked %reduce_sum3A_134 : vector<16xi32>, vector<16xi1> -> vector<16xi32>
      %reduce_sum3A_136 = vector.extract %reduce_sum3A_135[15] : i32 from vector<16xi32>
      %shift_right_logical3A_137 = arith.constant 3 : i32
      %shift_right_logical3A_138 = arith.shrui %reduce_sum3A_136, %shift_right_logical3A_137 : i32
      %and3A_139 = arith.constant 7 : i32
      %and3A_140 = arith.andi %reduce_sum3A_136, %and3A_139 : i32
      %mul3A_141 = arith.constant 16 : i32
      %mul3A_142 = arith.muli %scan3A_40, %mul3A_141 : i32
      %add3A_143 = arith.constant 3 : i32
      %add3A_144 = arith.addi %mul3A_142, %add3A_143 : i32
      %dma_start3A_145 = arith.constant 0 : i32
      %dma_start3A_146 = tpu.memref_slice %arg9[%add3A_144, %dma_start3A_145] : memref<512x64xf32, #tpu.memory_space<vmem>> -> memref<1x64xf32, #tpu.memory_space<vmem>>
      %dma_start3A_147 = tpu.memref_squeeze %dma_start3A_146 : memref<1x64xf32, #tpu.memory_space<vmem>> -> memref<64xf32, #tpu.memory_space<vmem>>
      %dma_start3A_148 = arith.constant 0 : i32
      %dma_start3A_149 = tpu.memref_slice %arg4[%shift_right_logical3A_138, %and3A_140, %dma_start3A_148] : memref<125000x8x64xf32, #tpu.memory_space<hbm>> -> memref<1x1x64xf32, #tpu.memory_space<hbm>>
      %dma_start3A_150 = tpu.memref_squeeze %dma_start3A_149 : memref<1x1x64xf32, #tpu.memory_space<hbm>> -> memref<64xf32, #tpu.memory_space<hbm>>
      %dma_start3A_151 = arith.constant 0 : i32
      %dma_start3A_152 = tpu.memref_slice %arg9[%add3A_144, %dma_start3A_151] : memref<512x64xf32, #tpu.memory_space<vmem>> -> memref<1x64xf32, #tpu.memory_space<vmem>>
      %dma_start3A_153 = tpu.memref_squeeze %dma_start3A_152 : memref<1x64xf32, #tpu.memory_space<vmem>> -> memref<64xf32, #tpu.memory_space<vmem>>
      %dma_start3A_154 = arith.constant 0 : i32
      %dma_start3A_155 = tpu.memref_slice %arg4[%shift_right_logical3A_138, %and3A_140, %dma_start3A_154] : memref<125000x8x64xf32, #tpu.memory_space<hbm>> -> memref<1x1x64xf32, #tpu.memory_space<hbm>>
      %dma_start3A_156 = tpu.memref_squeeze %dma_start3A_155 : memref<1x1x64xf32, #tpu.memory_space<hbm>> -> memref<64xf32, #tpu.memory_space<hbm>>
      tpu.enqueue_dma source(%dma_start3A_156 : memref<64xf32, #tpu.memory_space<hbm>>) target(%dma_start3A_153 : memref<64xf32, #tpu.memory_space<vmem>>) target_semaphore(%arg10 : memref<!tpu.dma_semaphore, #tpu.memory_space<semaphore_mem>>)
      %eq3A_157 = arith.constant 4 : i32
      %eq3A_158 = vector.broadcast %eq3A_157 : i32 to vector<16xi32>
      %eq3A_159 = arith.cmpi eq, %iota3A, %eq3A_158 : vector<16xi32>
      %jit3A_160 = arith.constant 0 : i32
      %broadcast_in_dim3A_161 = vector.broadcast %jit3A_160 : i32 to vector<16xi32>
      %select_n3A_162 = arith.select %eq3A_159, %get3A_43, %broadcast_in_dim3A_161 : vector<16xi1>, vector<16xi32>
      %reduce_sum3A_163 = arith.constant true
      %reduce_sum3A_164 = vector.broadcast %reduce_sum3A_163 : i1 to vector<16xi1>
      %reduce_sum3A_165 = tpu.scan <sum>, %select_n3A_162 masked %reduce_sum3A_164 : vector<16xi32>, vector<16xi1> -> vector<16xi32>
      %reduce_sum3A_166 = vector.extract %reduce_sum3A_165[15] : i32 from vector<16xi32>
      %shift_right_logical3A_167 = arith.constant 3 : i32
      %shift_right_logical3A_168 = arith.shrui %reduce_sum3A_166, %shift_right_logical3A_167 : i32
      %and3A_169 = arith.constant 7 : i32
      %and3A_170 = arith.andi %reduce_sum3A_166, %and3A_169 : i32
      %mul3A_171 = arith.constant 16 : i32
      %mul3A_172 = arith.muli %scan3A_40, %mul3A_171 : i32
      %add3A_173 = arith.constant 4 : i32
      %add3A_174 = arith.addi %mul3A_172, %add3A_173 : i32
      %dma_start3A_175 = arith.constant 0 : i32
      %dma_start3A_176 = tpu.memref_slice %arg9[%add3A_174, %dma_start3A_175] : memref<512x64xf32, #tpu.memory_space<vmem>> -> memref<1x64xf32, #tpu.memory_space<vmem>>
      %dma_start3A_177 = tpu.memref_squeeze %dma_start3A_176 : memref<1x64xf32, #tpu.memory_space<vmem>> -> memref<64xf32, #tpu.memory_space<vmem>>
      %dma_start3A_178 = arith.constant 0 : i32
      %dma_start3A_179 = tpu.memref_slice %arg4[%shift_right_logical3A_168, %and3A_170, %dma_start3A_178] : memref<125000x8x64xf32, #tpu.memory_space<hbm>> -> memref<1x1x64xf32, #tpu.memory_space<hbm>>
      %dma_start3A_180 = tpu.memref_squeeze %dma_start3A_179 : memref<1x1x64xf32, #tpu.memory_space<hbm>> -> memref<64xf32, #tpu.memory_space<hbm>>
      %dma_start3A_181 = arith.constant 0 : i32
      %dma_start3A_182 = tpu.memref_slice %arg9[%add3A_174, %dma_start3A_181] : memref<512x64xf32, #tpu.memory_space<vmem>> -> memref<1x64xf32, #tpu.memory_space<vmem>>
      %dma_start3A_183 = tpu.memref_squeeze %dma_start3A_182 : memref<1x64xf32, #tpu.memory_space<vmem>> -> memref<64xf32, #tpu.memory_space<vmem>>
      %dma_start3A_184 = arith.constant 0 : i32
      %dma_start3A_185 = tpu.memref_slice %arg4[%shift_right_logical3A_168, %and3A_170, %dma_start3A_184] : memref<125000x8x64xf32, #tpu.memory_space<hbm>> -> memref<1x1x64xf32, #tpu.memory_space<hbm>>
      %dma_start3A_186 = tpu.memref_squeeze %dma_start3A_185 : memref<1x1x64xf32, #tpu.memory_space<hbm>> -> memref<64xf32, #tpu.memory_space<hbm>>
      tpu.enqueue_dma source(%dma_start3A_186 : memref<64xf32, #tpu.memory_space<hbm>>) target(%dma_start3A_183 : memref<64xf32, #tpu.memory_space<vmem>>) target_semaphore(%arg10 : memref<!tpu.dma_semaphore, #tpu.memory_space<semaphore_mem>>)
      %eq3A_187 = arith.constant 5 : i32
      %eq3A_188 = vector.broadcast %eq3A_187 : i32 to vector<16xi32>
      %eq3A_189 = arith.cmpi eq, %iota3A, %eq3A_188 : vector<16xi32>
      %jit3A_190 = arith.constant 0 : i32
      %broadcast_in_dim3A_191 = vector.broadcast %jit3A_190 : i32 to vector<16xi32>
      %select_n3A_192 = arith.select %eq3A_189, %get3A_43, %broadcast_in_dim3A_191 : vector<16xi1>, vector<16xi32>
      %reduce_sum3A_193 = arith.constant true
      %reduce_sum3A_194 = vector.broadcast %reduce_sum3A_193 : i1 to vector<16xi1>
      %reduce_sum3A_195 = tpu.scan <sum>, %select_n3A_192 masked %reduce_sum3A_194 : vector<16xi32>, vector<16xi1> -> vector<16xi32>
      %reduce_sum3A_196 = vector.extract %reduce_sum3A_195[15] : i32 from vector<16xi32>
      %shift_right_logical3A_197 = arith.constant 3 : i32
      %shift_right_logical3A_198 = arith.shrui %reduce_sum3A_196, %shift_right_logical3A_197 : i32
      %and3A_199 = arith.constant 7 : i32
      %and3A_200 = arith.andi %reduce_sum3A_196, %and3A_199 : i32
      %mul3A_201 = arith.constant 16 : i32
      %mul3A_202 = arith.muli %scan3A_40, %mul3A_201 : i32
      %add3A_203 = arith.constant 5 : i32
      %add3A_204 = arith.addi %mul3A_202, %add3A_203 : i32
      %dma_start3A_205 = arith.constant 0 : i32
      %dma_start3A_206 = tpu.memref_slice %arg9[%add3A_204, %dma_start3A_205] : memref<512x64xf32, #tpu.memory_space<vmem>> -> memref<1x64xf32, #tpu.memory_space<vmem>>
      %dma_start3A_207 = tpu.memref_squeeze %dma_start3A_206 : memref<1x64xf32, #tpu.memory_space<vmem>> -> memref<64xf32, #tpu.memory_space<vmem>>
      %dma_start3A_208 = arith.constant 0 : i32
      %dma_start3A_209 = tpu.memref_slice %arg4[%shift_right_logical3A_198, %and3A_200, %dma_start3A_208] : memref<125000x8x64xf32, #tpu.memory_space<hbm>> -> memref<1x1x64xf32, #tpu.memory_space<hbm>>
      %dma_start3A_210 = tpu.memref_squeeze %dma_start3A_209 : memref<1x1x64xf32, #tpu.memory_space<hbm>> -> memref<64xf32, #tpu.memory_space<hbm>>
      %dma_start3A_211 = arith.constant 0 : i32
      %dma_start3A_212 = tpu.memref_slice %arg9[%add3A_204, %dma_start3A_211] : memref<512x64xf32, #tpu.memory_space<vmem>> -> memref<1x64xf32, #tpu.memory_space<vmem>>
      %dma_start3A_213 = tpu.memref_squeeze %dma_start3A_212 : memref<1x64xf32, #tpu.memory_space<vmem>> -> memref<64xf32, #tpu.memory_space<vmem>>
      %dma_start3A_214 = arith.constant 0 : i32
      %dma_start3A_215 = tpu.memref_slice %arg4[%shift_right_logical3A_198, %and3A_200, %dma_start3A_214] : memref<125000x8x64xf32, #tpu.memory_space<hbm>> -> memref<1x1x64xf32, #tpu.memory_space<hbm>>
      %dma_start3A_216 = tpu.memref_squeeze %dma_start3A_215 : memref<1x1x64xf32, #tpu.memory_space<hbm>> -> memref<64xf32, #tpu.memory_space<hbm>>
      tpu.enqueue_dma source(%dma_start3A_216 : memref<64xf32, #tpu.memory_space<hbm>>) target(%dma_start3A_213 : memref<64xf32, #tpu.memory_space<vmem>>) target_semaphore(%arg10 : memref<!tpu.dma_semaphore, #tpu.memory_space<semaphore_mem>>)
      %eq3A_217 = arith.constant 6 : i32
      %eq3A_218 = vector.broadcast %eq3A_217 : i32 to vector<16xi32>
      %eq3A_219 = arith.cmpi eq, %iota3A, %eq3A_218 : vector<16xi32>
      %jit3A_220 = arith.constant 0 : i32
      %broadcast_in_dim3A_221 = vector.broadcast %jit3A_220 : i32 to vector<16xi32>
      %select_n3A_222 = arith.select %eq3A_219, %get3A_43, %broadcast_in_dim3A_221 : vector<16xi1>, vector<16xi32>
      %reduce_sum3A_223 = arith.constant true
      %reduce_sum3A_224 = vector.broadcast %reduce_sum3A_223 : i1 to vector<16xi1>
      %reduce_sum3A_225 = tpu.scan <sum>, %select_n3A_222 masked %reduce_sum3A_224 : vector<16xi32>, vector<16xi1> -> vector<16xi32>
      %reduce_sum3A_226 = vector.extract %reduce_sum3A_225[15] : i32 from vector<16xi32>
      %shift_right_logical3A_227 = arith.constant 3 : i32
      %shift_right_logical3A_228 = arith.shrui %reduce_sum3A_226, %shift_right_logical3A_227 : i32
      %and3A_229 = arith.constant 7 : i32
      %and3A_230 = arith.andi %reduce_sum3A_226, %and3A_229 : i32
      %mul3A_231 = arith.constant 16 : i32
      %mul3A_232 = arith.muli %scan3A_40, %mul3A_231 : i32
      %add3A_233 = arith.constant 6 : i32
      %add3A_234 = arith.addi %mul3A_232, %add3A_233 : i32
      %dma_start3A_235 = arith.constant 0 : i32
      %dma_start3A_236 = tpu.memref_slice %arg9[%add3A_234, %dma_start3A_235] : memref<512x64xf32, #tpu.memory_space<vmem>> -> memref<1x64xf32, #tpu.memory_space<vmem>>
      %dma_start3A_237 = tpu.memref_squeeze %dma_start3A_236 : memref<1x64xf32, #tpu.memory_space<vmem>> -> memref<64xf32, #tpu.memory_space<vmem>>
      %dma_start3A_238 = arith.constant 0 : i32
      %dma_start3A_239 = tpu.memref_slice %arg4[%shift_right_logical3A_228, %and3A_230, %dma_start3A_238] : memref<125000x8x64xf32, #tpu.memory_space<hbm>> -> memref<1x1x64xf32, #tpu.memory_space<hbm>>
      %dma_start3A_240 = tpu.memref_squeeze %dma_start3A_239 : memref<1x1x64xf32, #tpu.memory_space<hbm>> -> memref<64xf32, #tpu.memory_space<hbm>>
      %dma_start3A_241 = arith.constant 0 : i32
      %dma_start3A_242 = tpu.memref_slice %arg9[%add3A_234, %dma_start3A_241] : memref<512x64xf32, #tpu.memory_space<vmem>> -> memref<1x64xf32, #tpu.memory_space<vmem>>
      %dma_start3A_243 = tpu.memref_squeeze %dma_start3A_242 : memref<1x64xf32, #tpu.memory_space<vmem>> -> memref<64xf32, #tpu.memory_space<vmem>>
      %dma_start3A_244 = arith.constant 0 : i32
      %dma_start3A_245 = tpu.memref_slice %arg4[%shift_right_logical3A_228, %and3A_230, %dma_start3A_244] : memref<125000x8x64xf32, #tpu.memory_space<hbm>> -> memref<1x1x64xf32, #tpu.memory_space<hbm>>
      %dma_start3A_246 = tpu.memref_squeeze %dma_start3A_245 : memref<1x1x64xf32, #tpu.memory_space<hbm>> -> memref<64xf32, #tpu.memory_space<hbm>>
      tpu.enqueue_dma source(%dma_start3A_246 : memref<64xf32, #tpu.memory_space<hbm>>) target(%dma_start3A_243 : memref<64xf32, #tpu.memory_space<vmem>>) target_semaphore(%arg10 : memref<!tpu.dma_semaphore, #tpu.memory_space<semaphore_mem>>)
      %eq3A_247 = arith.constant 7 : i32
      %eq3A_248 = vector.broadcast %eq3A_247 : i32 to vector<16xi32>
      %eq3A_249 = arith.cmpi eq, %iota3A, %eq3A_248 : vector<16xi32>
      %jit3A_250 = arith.constant 0 : i32
      %broadcast_in_dim3A_251 = vector.broadcast %jit3A_250 : i32 to vector<16xi32>
      %select_n3A_252 = arith.select %eq3A_249, %get3A_43, %broadcast_in_dim3A_251 : vector<16xi1>, vector<16xi32>
      %reduce_sum3A_253 = arith.constant true
      %reduce_sum3A_254 = vector.broadcast %reduce_sum3A_253 : i1 to vector<16xi1>
      %reduce_sum3A_255 = tpu.scan <sum>, %select_n3A_252 masked %reduce_sum3A_254 : vector<16xi32>, vector<16xi1> -> vector<16xi32>
      %reduce_sum3A_256 = vector.extract %reduce_sum3A_255[15] : i32 from vector<16xi32>
      %shift_right_logical3A_257 = arith.constant 3 : i32
      %shift_right_logical3A_258 = arith.shrui %reduce_sum3A_256, %shift_right_logical3A_257 : i32
      %and3A_259 = arith.constant 7 : i32
      %and3A_260 = arith.andi %reduce_sum3A_256, %and3A_259 : i32
      %mul3A_261 = arith.constant 16 : i32
      %mul3A_262 = arith.muli %scan3A_40, %mul3A_261 : i32
      %add3A_263 = arith.constant 7 : i32
      %add3A_264 = arith.addi %mul3A_262, %add3A_263 : i32
      %dma_start3A_265 = arith.constant 0 : i32
      %dma_start3A_266 = tpu.memref_slice %arg9[%add3A_264, %dma_start3A_265] : memref<512x64xf32, #tpu.memory_space<vmem>> -> memref<1x64xf32, #tpu.memory_space<vmem>>
      %dma_start3A_267 = tpu.memref_squeeze %dma_start3A_266 : memref<1x64xf32, #tpu.memory_space<vmem>> -> memref<64xf32, #tpu.memory_space<vmem>>
      %dma_start3A_268 = arith.constant 0 : i32
      %dma_start3A_269 = tpu.memref_slice %arg4[%shift_right_logical3A_258, %and3A_260, %dma_start3A_268] : memref<125000x8x64xf32, #tpu.memory_space<hbm>> -> memref<1x1x64xf32, #tpu.memory_space<hbm>>
      %dma_start3A_270 = tpu.memref_squeeze %dma_start3A_269 : memref<1x1x64xf32, #tpu.memory_space<hbm>> -> memref<64xf32, #tpu.memory_space<hbm>>
      %dma_start3A_271 = arith.constant 0 : i32
      %dma_start3A_272 = tpu.memref_slice %arg9[%add3A_264, %dma_start3A_271] : memref<512x64xf32, #tpu.memory_space<vmem>> -> memref<1x64xf32, #tpu.memory_space<vmem>>
      %dma_start3A_273 = tpu.memref_squeeze %dma_start3A_272 : memref<1x64xf32, #tpu.memory_space<vmem>> -> memref<64xf32, #tpu.memory_space<vmem>>
      %dma_start3A_274 = arith.constant 0 : i32
      %dma_start3A_275 = tpu.memref_slice %arg4[%shift_right_logical3A_258, %and3A_260, %dma_start3A_274] : memref<125000x8x64xf32, #tpu.memory_space<hbm>> -> memref<1x1x64xf32, #tpu.memory_space<hbm>>
      %dma_start3A_276 = tpu.memref_squeeze %dma_start3A_275 : memref<1x1x64xf32, #tpu.memory_space<hbm>> -> memref<64xf32, #tpu.memory_space<hbm>>
      tpu.enqueue_dma source(%dma_start3A_276 : memref<64xf32, #tpu.memory_space<hbm>>) target(%dma_start3A_273 : memref<64xf32, #tpu.memory_space<vmem>>) target_semaphore(%arg10 : memref<!tpu.dma_semaphore, #tpu.memory_space<semaphore_mem>>)
      %eq3A_277 = arith.constant 8 : i32
      %eq3A_278 = vector.broadcast %eq3A_277 : i32 to vector<16xi32>
      %eq3A_279 = arith.cmpi eq, %iota3A, %eq3A_278 : vector<16xi32>
      %jit3A_280 = arith.constant 0 : i32
      %broadcast_in_dim3A_281 = vector.broadcast %jit3A_280 : i32 to vector<16xi32>
      %select_n3A_282 = arith.select %eq3A_279, %get3A_43, %broadcast_in_dim3A_281 : vector<16xi1>, vector<16xi32>
      %reduce_sum3A_283 = arith.constant true
      %reduce_sum3A_284 = vector.broadcast %reduce_sum3A_283 : i1 to vector<16xi1>
      %reduce_sum3A_285 = tpu.scan <sum>, %select_n3A_282 masked %reduce_sum3A_284 : vector<16xi32>, vector<16xi1> -> vector<16xi32>
      %reduce_sum3A_286 = vector.extract %reduce_sum3A_285[15] : i32 from vector<16xi32>
      %shift_right_logical3A_287 = arith.constant 3 : i32
      %shift_right_logical3A_288 = arith.shrui %reduce_sum3A_286, %shift_right_logical3A_287 : i32
      %and3A_289 = arith.constant 7 : i32
      %and3A_290 = arith.andi %reduce_sum3A_286, %and3A_289 : i32
      %mul3A_291 = arith.constant 16 : i32
      %mul3A_292 = arith.muli %scan3A_40, %mul3A_291 : i32
      %add3A_293 = arith.constant 8 : i32
      %add3A_294 = arith.addi %mul3A_292, %add3A_293 : i32
      %dma_start3A_295 = arith.constant 0 : i32
      %dma_start3A_296 = tpu.memref_slice %arg9[%add3A_294, %dma_start3A_295] : memref<512x64xf32, #tpu.memory_space<vmem>> -> memref<1x64xf32, #tpu.memory_space<vmem>>
      %dma_start3A_297 = tpu.memref_squeeze %dma_start3A_296 : memref<1x64xf32, #tpu.memory_space<vmem>> -> memref<64xf32, #tpu.memory_space<vmem>>
      %dma_start3A_298 = arith.constant 0 : i32
      %dma_start3A_299 = tpu.memref_slice %arg4[%shift_right_logical3A_288, %and3A_290, %dma_start3A_298] : memref<125000x8x64xf32, #tpu.memory_space<hbm>> -> memref<1x1x64xf32, #tpu.memory_space<hbm>>
      %dma_start3A_300 = tpu.memref_squeeze %dma_start3A_299 : memref<1x1x64xf32, #tpu.memory_space<hbm>> -> memref<64xf32, #tpu.memory_space<hbm>>
      %dma_start3A_301 = arith.constant 0 : i32
      %dma_start3A_302 = tpu.memref_slice %arg9[%add3A_294, %dma_start3A_301] : memref<512x64xf32, #tpu.memory_space<vmem>> -> memref<1x64xf32, #tpu.memory_space<vmem>>
      %dma_start3A_303 = tpu.memref_squeeze %dma_start3A_302 : memref<1x64xf32, #tpu.memory_space<vmem>> -> memref<64xf32, #tpu.memory_space<vmem>>
      %dma_start3A_304 = arith.constant 0 : i32
      %dma_start3A_305 = tpu.memref_slice %arg4[%shift_right_logical3A_288, %and3A_290, %dma_start3A_304] : memref<125000x8x64xf32, #tpu.memory_space<hbm>> -> memref<1x1x64xf32, #tpu.memory_space<hbm>>
      %dma_start3A_306 = tpu.memref_squeeze %dma_start3A_305 : memref<1x1x64xf32, #tpu.memory_space<hbm>> -> memref<64xf32, #tpu.memory_space<hbm>>
      tpu.enqueue_dma source(%dma_start3A_306 : memref<64xf32, #tpu.memory_space<hbm>>) target(%dma_start3A_303 : memref<64xf32, #tpu.memory_space<vmem>>) target_semaphore(%arg10 : memref<!tpu.dma_semaphore, #tpu.memory_space<semaphore_mem>>)
      %eq3A_307 = arith.constant 9 : i32
      %eq3A_308 = vector.broadcast %eq3A_307 : i32 to vector<16xi32>
      %eq3A_309 = arith.cmpi eq, %iota3A, %eq3A_308 : vector<16xi32>
      %jit3A_310 = arith.constant 0 : i32
      %broadcast_in_dim3A_311 = vector.broadcast %jit3A_310 : i32 to vector<16xi32>
      %select_n3A_312 = arith.select %eq3A_309, %get3A_43, %broadcast_in_dim3A_311 : vector<16xi1>, vector<16xi32>
      %reduce_sum3A_313 = arith.constant true
      %reduce_sum3A_314 = vector.broadcast %reduce_sum3A_313 : i1 to vector<16xi1>
      %reduce_sum3A_315 = tpu.scan <sum>, %select_n3A_312 masked %reduce_sum3A_314 : vector<16xi32>, vector<16xi1> -> vector<16xi32>
      %reduce_sum3A_316 = vector.extract %reduce_sum3A_315[15] : i32 from vector<16xi32>
      %shift_right_logical3A_317 = arith.constant 3 : i32
      %shift_right_logical3A_318 = arith.shrui %reduce_sum3A_316, %shift_right_logical3A_317 : i32
      %and3A_319 = arith.constant 7 : i32
      %and3A_320 = arith.andi %reduce_sum3A_316, %and3A_319 : i32
      %mul3A_321 = arith.constant 16 : i32
      %mul3A_322 = arith.muli %scan3A_40, %mul3A_321 : i32
      %add3A_323 = arith.constant 9 : i32
      %add3A_324 = arith.addi %mul3A_322, %add3A_323 : i32
      %dma_start3A_325 = arith.constant 0 : i32
      %dma_start3A_326 = tpu.memref_slice %arg9[%add3A_324, %dma_start3A_325] : memref<512x64xf32, #tpu.memory_space<vmem>> -> memref<1x64xf32, #tpu.memory_space<vmem>>
      %dma_start3A_327 = tpu.memref_squeeze %dma_start3A_326 : memref<1x64xf32, #tpu.memory_space<vmem>> -> memref<64xf32, #tpu.memory_space<vmem>>
      %dma_start3A_328 = arith.constant 0 : i32
      %dma_start3A_329 = tpu.memref_slice %arg4[%shift_right_logical3A_318, %and3A_320, %dma_start3A_328] : memref<125000x8x64xf32, #tpu.memory_space<hbm>> -> memref<1x1x64xf32, #tpu.memory_space<hbm>>
      %dma_start3A_330 = tpu.memref_squeeze %dma_start3A_329 : memref<1x1x64xf32, #tpu.memory_space<hbm>> -> memref<64xf32, #tpu.memory_space<hbm>>
      %dma_start3A_331 = arith.constant 0 : i32
      %dma_start3A_332 = tpu.memref_slice %arg9[%add3A_324, %dma_start3A_331] : memref<512x64xf32, #tpu.memory_space<vmem>> -> memref<1x64xf32, #tpu.memory_space<vmem>>
      %dma_start3A_333 = tpu.memref_squeeze %dma_start3A_332 : memref<1x64xf32, #tpu.memory_space<vmem>> -> memref<64xf32, #tpu.memory_space<vmem>>
      %dma_start3A_334 = arith.constant 0 : i32
      %dma_start3A_335 = tpu.memref_slice %arg4[%shift_right_logical3A_318, %and3A_320, %dma_start3A_334] : memref<125000x8x64xf32, #tpu.memory_space<hbm>> -> memref<1x1x64xf32, #tpu.memory_space<hbm>>
      %dma_start3A_336 = tpu.memref_squeeze %dma_start3A_335 : memref<1x1x64xf32, #tpu.memory_space<hbm>> -> memref<64xf32, #tpu.memory_space<hbm>>
      tpu.enqueue_dma source(%dma_start3A_336 : memref<64xf32, #tpu.memory_space<hbm>>) target(%dma_start3A_333 : memref<64xf32, #tpu.memory_space<vmem>>) target_semaphore(%arg10 : memref<!tpu.dma_semaphore, #tpu.memory_space<semaphore_mem>>)
      %eq3A_337 = arith.constant 10 : i32
      %eq3A_338 = vector.broadcast %eq3A_337 : i32 to vector<16xi32>
      %eq3A_339 = arith.cmpi eq, %iota3A, %eq3A_338 : vector<16xi32>
      %jit3A_340 = arith.constant 0 : i32
      %broadcast_in_dim3A_341 = vector.broadcast %jit3A_340 : i32 to vector<16xi32>
      %select_n3A_342 = arith.select %eq3A_339, %get3A_43, %broadcast_in_dim3A_341 : vector<16xi1>, vector<16xi32>
      %reduce_sum3A_343 = arith.constant true
      %reduce_sum3A_344 = vector.broadcast %reduce_sum3A_343 : i1 to vector<16xi1>
      %reduce_sum3A_345 = tpu.scan <sum>, %select_n3A_342 masked %reduce_sum3A_344 : vector<16xi32>, vector<16xi1> -> vector<16xi32>
      %reduce_sum3A_346 = vector.extract %reduce_sum3A_345[15] : i32 from vector<16xi32>
      %shift_right_logical3A_347 = arith.constant 3 : i32
      %shift_right_logical3A_348 = arith.shrui %reduce_sum3A_346, %shift_right_logical3A_347 : i32
      %and3A_349 = arith.constant 7 : i32
      %and3A_350 = arith.andi %reduce_sum3A_346, %and3A_349 : i32
      %mul3A_351 = arith.constant 16 : i32
      %mul3A_352 = arith.muli %scan3A_40, %mul3A_351 : i32
      %add3A_353 = arith.constant 10 : i32
      %add3A_354 = arith.addi %mul3A_352, %add3A_353 : i32
      %dma_start3A_355 = arith.constant 0 : i32
      %dma_start3A_356 = tpu.memref_slice %arg9[%add3A_354, %dma_start3A_355] : memref<512x64xf32, #tpu.memory_space<vmem>> -> memref<1x64xf32, #tpu.memory_space<vmem>>
      %dma_start3A_357 = tpu.memref_squeeze %dma_start3A_356 : memref<1x64xf32, #tpu.memory_space<vmem>> -> memref<64xf32, #tpu.memory_space<vmem>>
      %dma_start3A_358 = arith.constant 0 : i32
      %dma_start3A_359 = tpu.memref_slice %arg4[%shift_right_logical3A_348, %and3A_350, %dma_start3A_358] : memref<125000x8x64xf32, #tpu.memory_space<hbm>> -> memref<1x1x64xf32, #tpu.memory_space<hbm>>
      %dma_start3A_360 = tpu.memref_squeeze %dma_start3A_359 : memref<1x1x64xf32, #tpu.memory_space<hbm>> -> memref<64xf32, #tpu.memory_space<hbm>>
      %dma_start3A_361 = arith.constant 0 : i32
      %dma_start3A_362 = tpu.memref_slice %arg9[%add3A_354, %dma_start3A_361] : memref<512x64xf32, #tpu.memory_space<vmem>> -> memref<1x64xf32, #tpu.memory_space<vmem>>
      %dma_start3A_363 = tpu.memref_squeeze %dma_start3A_362 : memref<1x64xf32, #tpu.memory_space<vmem>> -> memref<64xf32, #tpu.memory_space<vmem>>
      %dma_start3A_364 = arith.constant 0 : i32
      %dma_start3A_365 = tpu.memref_slice %arg4[%shift_right_logical3A_348, %and3A_350, %dma_start3A_364] : memref<125000x8x64xf32, #tpu.memory_space<hbm>> -> memref<1x1x64xf32, #tpu.memory_space<hbm>>
      %dma_start3A_366 = tpu.memref_squeeze %dma_start3A_365 : memref<1x1x64xf32, #tpu.memory_space<hbm>> -> memref<64xf32, #tpu.memory_space<hbm>>
      tpu.enqueue_dma source(%dma_start3A_366 : memref<64xf32, #tpu.memory_space<hbm>>) target(%dma_start3A_363 : memref<64xf32, #tpu.memory_space<vmem>>) target_semaphore(%arg10 : memref<!tpu.dma_semaphore, #tpu.memory_space<semaphore_mem>>)
      %eq3A_367 = arith.constant 11 : i32
      %eq3A_368 = vector.broadcast %eq3A_367 : i32 to vector<16xi32>
      %eq3A_369 = arith.cmpi eq, %iota3A, %eq3A_368 : vector<16xi32>
      %jit3A_370 = arith.constant 0 : i32
      %broadcast_in_dim3A_371 = vector.broadcast %jit3A_370 : i32 to vector<16xi32>
      %select_n3A_372 = arith.select %eq3A_369, %get3A_43, %broadcast_in_dim3A_371 : vector<16xi1>, vector<16xi32>
      %reduce_sum3A_373 = arith.constant true
      %reduce_sum3A_374 = vector.broadcast %reduce_sum3A_373 : i1 to vector<16xi1>
      %reduce_sum3A_375 = tpu.scan <sum>, %select_n3A_372 masked %reduce_sum3A_374 : vector<16xi32>, vector<16xi1> -> vector<16xi32>
      %reduce_sum3A_376 = vector.extract %reduce_sum3A_375[15] : i32 from vector<16xi32>
      %shift_right_logical3A_377 = arith.constant 3 : i32
      %shift_right_logical3A_378 = arith.shrui %reduce_sum3A_376, %shift_right_logical3A_377 : i32
      %and3A_379 = arith.constant 7 : i32
      %and3A_380 = arith.andi %reduce_sum3A_376, %and3A_379 : i32
      %mul3A_381 = arith.constant 16 : i32
      %mul3A_382 = arith.muli %scan3A_40, %mul3A_381 : i32
      %add3A_383 = arith.constant 11 : i32
      %add3A_384 = arith.addi %mul3A_382, %add3A_383 : i32
      %dma_start3A_385 = arith.constant 0 : i32
      %dma_start3A_386 = tpu.memref_slice %arg9[%add3A_384, %dma_start3A_385] : memref<512x64xf32, #tpu.memory_space<vmem>> -> memref<1x64xf32, #tpu.memory_space<vmem>>
      %dma_start3A_387 = tpu.memref_squeeze %dma_start3A_386 : memref<1x64xf32, #tpu.memory_space<vmem>> -> memref<64xf32, #tpu.memory_space<vmem>>
      %dma_start3A_388 = arith.constant 0 : i32
      %dma_start3A_389 = tpu.memref_slice %arg4[%shift_right_logical3A_378, %and3A_380, %dma_start3A_388] : memref<125000x8x64xf32, #tpu.memory_space<hbm>> -> memref<1x1x64xf32, #tpu.memory_space<hbm>>
      %dma_start3A_390 = tpu.memref_squeeze %dma_start3A_389 : memref<1x1x64xf32, #tpu.memory_space<hbm>> -> memref<64xf32, #tpu.memory_space<hbm>>
      %dma_start3A_391 = arith.constant 0 : i32
      %dma_start3A_392 = tpu.memref_slice %arg9[%add3A_384, %dma_start3A_391] : memref<512x64xf32, #tpu.memory_space<vmem>> -> memref<1x64xf32, #tpu.memory_space<vmem>>
      %dma_start3A_393 = tpu.memref_squeeze %dma_start3A_392 : memref<1x64xf32, #tpu.memory_space<vmem>> -> memref<64xf32, #tpu.memory_space<vmem>>
      %dma_start3A_394 = arith.constant 0 : i32
      %dma_start3A_395 = tpu.memref_slice %arg4[%shift_right_logical3A_378, %and3A_380, %dma_start3A_394] : memref<125000x8x64xf32, #tpu.memory_space<hbm>> -> memref<1x1x64xf32, #tpu.memory_space<hbm>>
      %dma_start3A_396 = tpu.memref_squeeze %dma_start3A_395 : memref<1x1x64xf32, #tpu.memory_space<hbm>> -> memref<64xf32, #tpu.memory_space<hbm>>
      tpu.enqueue_dma source(%dma_start3A_396 : memref<64xf32, #tpu.memory_space<hbm>>) target(%dma_start3A_393 : memref<64xf32, #tpu.memory_space<vmem>>) target_semaphore(%arg10 : memref<!tpu.dma_semaphore, #tpu.memory_space<semaphore_mem>>)
      %eq3A_397 = arith.constant 12 : i32
      %eq3A_398 = vector.broadcast %eq3A_397 : i32 to vector<16xi32>
      %eq3A_399 = arith.cmpi eq, %iota3A, %eq3A_398 : vector<16xi32>
      %jit3A_400 = arith.constant 0 : i32
      %broadcast_in_dim3A_401 = vector.broadcast %jit3A_400 : i32 to vector<16xi32>
      %select_n3A_402 = arith.select %eq3A_399, %get3A_43, %broadcast_in_dim3A_401 : vector<16xi1>, vector<16xi32>
      %reduce_sum3A_403 = arith.constant true
      %reduce_sum3A_404 = vector.broadcast %reduce_sum3A_403 : i1 to vector<16xi1>
      %reduce_sum3A_405 = tpu.scan <sum>, %select_n3A_402 masked %reduce_sum3A_404 : vector<16xi32>, vector<16xi1> -> vector<16xi32>
      %reduce_sum3A_406 = vector.extract %reduce_sum3A_405[15] : i32 from vector<16xi32>
      %shift_right_logical3A_407 = arith.constant 3 : i32
      %shift_right_logical3A_408 = arith.shrui %reduce_sum3A_406, %shift_right_logical3A_407 : i32
      %and3A_409 = arith.constant 7 : i32
      %and3A_410 = arith.andi %reduce_sum3A_406, %and3A_409 : i32
      %mul3A_411 = arith.constant 16 : i32
      %mul3A_412 = arith.muli %scan3A_40, %mul3A_411 : i32
      %add3A_413 = arith.constant 12 : i32
      %add3A_414 = arith.addi %mul3A_412, %add3A_413 : i32
      %dma_start3A_415 = arith.constant 0 : i32
      %dma_start3A_416 = tpu.memref_slice %arg9[%add3A_414, %dma_start3A_415] : memref<512x64xf32, #tpu.memory_space<vmem>> -> memref<1x64xf32, #tpu.memory_space<vmem>>
      %dma_start3A_417 = tpu.memref_squeeze %dma_start3A_416 : memref<1x64xf32, #tpu.memory_space<vmem>> -> memref<64xf32, #tpu.memory_space<vmem>>
      %dma_start3A_418 = arith.constant 0 : i32
      %dma_start3A_419 = tpu.memref_slice %arg4[%shift_right_logical3A_408, %and3A_410, %dma_start3A_418] : memref<125000x8x64xf32, #tpu.memory_space<hbm>> -> memref<1x1x64xf32, #tpu.memory_space<hbm>>
      %dma_start3A_420 = tpu.memref_squeeze %dma_start3A_419 : memref<1x1x64xf32, #tpu.memory_space<hbm>> -> memref<64xf32, #tpu.memory_space<hbm>>
      %dma_start3A_421 = arith.constant 0 : i32
      %dma_start3A_422 = tpu.memref_slice %arg9[%add3A_414, %dma_start3A_421] : memref<512x64xf32, #tpu.memory_space<vmem>> -> memref<1x64xf32, #tpu.memory_space<vmem>>
      %dma_start3A_423 = tpu.memref_squeeze %dma_start3A_422 : memref<1x64xf32, #tpu.memory_space<vmem>> -> memref<64xf32, #tpu.memory_space<vmem>>
      %dma_start3A_424 = arith.constant 0 : i32
      %dma_start3A_425 = tpu.memref_slice %arg4[%shift_right_logical3A_408, %and3A_410, %dma_start3A_424] : memref<125000x8x64xf32, #tpu.memory_space<hbm>> -> memref<1x1x64xf32, #tpu.memory_space<hbm>>
      %dma_start3A_426 = tpu.memref_squeeze %dma_start3A_425 : memref<1x1x64xf32, #tpu.memory_space<hbm>> -> memref<64xf32, #tpu.memory_space<hbm>>
      tpu.enqueue_dma source(%dma_start3A_426 : memref<64xf32, #tpu.memory_space<hbm>>) target(%dma_start3A_423 : memref<64xf32, #tpu.memory_space<vmem>>) target_semaphore(%arg10 : memref<!tpu.dma_semaphore, #tpu.memory_space<semaphore_mem>>)
      %eq3A_427 = arith.constant 13 : i32
      %eq3A_428 = vector.broadcast %eq3A_427 : i32 to vector<16xi32>
      %eq3A_429 = arith.cmpi eq, %iota3A, %eq3A_428 : vector<16xi32>
      %jit3A_430 = arith.constant 0 : i32
      %broadcast_in_dim3A_431 = vector.broadcast %jit3A_430 : i32 to vector<16xi32>
      %select_n3A_432 = arith.select %eq3A_429, %get3A_43, %broadcast_in_dim3A_431 : vector<16xi1>, vector<16xi32>
      %reduce_sum3A_433 = arith.constant true
      %reduce_sum3A_434 = vector.broadcast %reduce_sum3A_433 : i1 to vector<16xi1>
      %reduce_sum3A_435 = tpu.scan <sum>, %select_n3A_432 masked %reduce_sum3A_434 : vector<16xi32>, vector<16xi1> -> vector<16xi32>
      %reduce_sum3A_436 = vector.extract %reduce_sum3A_435[15] : i32 from vector<16xi32>
      %shift_right_logical3A_437 = arith.constant 3 : i32
      %shift_right_logical3A_438 = arith.shrui %reduce_sum3A_436, %shift_right_logical3A_437 : i32
      %and3A_439 = arith.constant 7 : i32
      %and3A_440 = arith.andi %reduce_sum3A_436, %and3A_439 : i32
      %mul3A_441 = arith.constant 16 : i32
      %mul3A_442 = arith.muli %scan3A_40, %mul3A_441 : i32
      %add3A_443 = arith.constant 13 : i32
      %add3A_444 = arith.addi %mul3A_442, %add3A_443 : i32
      %dma_start3A_445 = arith.constant 0 : i32
      %dma_start3A_446 = tpu.memref_slice %arg9[%add3A_444, %dma_start3A_445] : memref<512x64xf32, #tpu.memory_space<vmem>> -> memref<1x64xf32, #tpu.memory_space<vmem>>
      %dma_start3A_447 = tpu.memref_squeeze %dma_start3A_446 : memref<1x64xf32, #tpu.memory_space<vmem>> -> memref<64xf32, #tpu.memory_space<vmem>>
      %dma_start3A_448 = arith.constant 0 : i32
      %dma_start3A_449 = tpu.memref_slice %arg4[%shift_right_logical3A_438, %and3A_440, %dma_start3A_448] : memref<125000x8x64xf32, #tpu.memory_space<hbm>> -> memref<1x1x64xf32, #tpu.memory_space<hbm>>
      %dma_start3A_450 = tpu.memref_squeeze %dma_start3A_449 : memref<1x1x64xf32, #tpu.memory_space<hbm>> -> memref<64xf32, #tpu.memory_space<hbm>>
      %dma_start3A_451 = arith.constant 0 : i32
      %dma_start3A_452 = tpu.memref_slice %arg9[%add3A_444, %dma_start3A_451] : memref<512x64xf32, #tpu.memory_space<vmem>> -> memref<1x64xf32, #tpu.memory_space<vmem>>
      %dma_start3A_453 = tpu.memref_squeeze %dma_start3A_452 : memref<1x64xf32, #tpu.memory_space<vmem>> -> memref<64xf32, #tpu.memory_space<vmem>>
      %dma_start3A_454 = arith.constant 0 : i32
      %dma_start3A_455 = tpu.memref_slice %arg4[%shift_right_logical3A_438, %and3A_440, %dma_start3A_454] : memref<125000x8x64xf32, #tpu.memory_space<hbm>> -> memref<1x1x64xf32, #tpu.memory_space<hbm>>
      %dma_start3A_456 = tpu.memref_squeeze %dma_start3A_455 : memref<1x1x64xf32, #tpu.memory_space<hbm>> -> memref<64xf32, #tpu.memory_space<hbm>>
      tpu.enqueue_dma source(%dma_start3A_456 : memref<64xf32, #tpu.memory_space<hbm>>) target(%dma_start3A_453 : memref<64xf32, #tpu.memory_space<vmem>>) target_semaphore(%arg10 : memref<!tpu.dma_semaphore, #tpu.memory_space<semaphore_mem>>)
      %eq3A_457 = arith.constant 14 : i32
      %eq3A_458 = vector.broadcast %eq3A_457 : i32 to vector<16xi32>
      %eq3A_459 = arith.cmpi eq, %iota3A, %eq3A_458 : vector<16xi32>
      %jit3A_460 = arith.constant 0 : i32
      %broadcast_in_dim3A_461 = vector.broadcast %jit3A_460 : i32 to vector<16xi32>
      %select_n3A_462 = arith.select %eq3A_459, %get3A_43, %broadcast_in_dim3A_461 : vector<16xi1>, vector<16xi32>
      %reduce_sum3A_463 = arith.constant true
      %reduce_sum3A_464 = vector.broadcast %reduce_sum3A_463 : i1 to vector<16xi1>
      %reduce_sum3A_465 = tpu.scan <sum>, %select_n3A_462 masked %reduce_sum3A_464 : vector<16xi32>, vector<16xi1> -> vector<16xi32>
      %reduce_sum3A_466 = vector.extract %reduce_sum3A_465[15] : i32 from vector<16xi32>
      %shift_right_logical3A_467 = arith.constant 3 : i32
      %shift_right_logical3A_468 = arith.shrui %reduce_sum3A_466, %shift_right_logical3A_467 : i32
      %and3A_469 = arith.constant 7 : i32
      %and3A_470 = arith.andi %reduce_sum3A_466, %and3A_469 : i32
      %mul3A_471 = arith.constant 16 : i32
      %mul3A_472 = arith.muli %scan3A_40, %mul3A_471 : i32
      %add3A_473 = arith.constant 14 : i32
      %add3A_474 = arith.addi %mul3A_472, %add3A_473 : i32
      %dma_start3A_475 = arith.constant 0 : i32
      %dma_start3A_476 = tpu.memref_slice %arg9[%add3A_474, %dma_start3A_475] : memref<512x64xf32, #tpu.memory_space<vmem>> -> memref<1x64xf32, #tpu.memory_space<vmem>>
      %dma_start3A_477 = tpu.memref_squeeze %dma_start3A_476 : memref<1x64xf32, #tpu.memory_space<vmem>> -> memref<64xf32, #tpu.memory_space<vmem>>
      %dma_start3A_478 = arith.constant 0 : i32
      %dma_start3A_479 = tpu.memref_slice %arg4[%shift_right_logical3A_468, %and3A_470, %dma_start3A_478] : memref<125000x8x64xf32, #tpu.memory_space<hbm>> -> memref<1x1x64xf32, #tpu.memory_space<hbm>>
      %dma_start3A_480 = tpu.memref_squeeze %dma_start3A_479 : memref<1x1x64xf32, #tpu.memory_space<hbm>> -> memref<64xf32, #tpu.memory_space<hbm>>
      %dma_start3A_481 = arith.constant 0 : i32
      %dma_start3A_482 = tpu.memref_slice %arg9[%add3A_474, %dma_start3A_481] : memref<512x64xf32, #tpu.memory_space<vmem>> -> memref<1x64xf32, #tpu.memory_space<vmem>>
      %dma_start3A_483 = tpu.memref_squeeze %dma_start3A_482 : memref<1x64xf32, #tpu.memory_space<vmem>> -> memref<64xf32, #tpu.memory_space<vmem>>
      %dma_start3A_484 = arith.constant 0 : i32
      %dma_start3A_485 = tpu.memref_slice %arg4[%shift_right_logical3A_468, %and3A_470, %dma_start3A_484] : memref<125000x8x64xf32, #tpu.memory_space<hbm>> -> memref<1x1x64xf32, #tpu.memory_space<hbm>>
      %dma_start3A_486 = tpu.memref_squeeze %dma_start3A_485 : memref<1x1x64xf32, #tpu.memory_space<hbm>> -> memref<64xf32, #tpu.memory_space<hbm>>
      tpu.enqueue_dma source(%dma_start3A_486 : memref<64xf32, #tpu.memory_space<hbm>>) target(%dma_start3A_483 : memref<64xf32, #tpu.memory_space<vmem>>) target_semaphore(%arg10 : memref<!tpu.dma_semaphore, #tpu.memory_space<semaphore_mem>>)
      %eq3A_487 = arith.constant 15 : i32
      %eq3A_488 = vector.broadcast %eq3A_487 : i32 to vector<16xi32>
      %eq3A_489 = arith.cmpi eq, %iota3A, %eq3A_488 : vector<16xi32>
      %jit3A_490 = arith.constant 0 : i32
      %broadcast_in_dim3A_491 = vector.broadcast %jit3A_490 : i32 to vector<16xi32>
      %select_n3A_492 = arith.select %eq3A_489, %get3A_43, %broadcast_in_dim3A_491 : vector<16xi1>, vector<16xi32>
      %reduce_sum3A_493 = arith.constant true
      %reduce_sum3A_494 = vector.broadcast %reduce_sum3A_493 : i1 to vector<16xi1>
      %reduce_sum3A_495 = tpu.scan <sum>, %select_n3A_492 masked %reduce_sum3A_494 : vector<16xi32>, vector<16xi1> -> vector<16xi32>
      %reduce_sum3A_496 = vector.extract %reduce_sum3A_495[15] : i32 from vector<16xi32>
      %shift_right_logical3A_497 = arith.constant 3 : i32
      %shift_right_logical3A_498 = arith.shrui %reduce_sum3A_496, %shift_right_logical3A_497 : i32
      %and3A_499 = arith.constant 7 : i32
      %and3A_500 = arith.andi %reduce_sum3A_496, %and3A_499 : i32
      %mul3A_501 = arith.constant 16 : i32
      %mul3A_502 = arith.muli %scan3A_40, %mul3A_501 : i32
      %add3A_503 = arith.constant 15 : i32
      %add3A_504 = arith.addi %mul3A_502, %add3A_503 : i32
      %dma_start3A_505 = arith.constant 0 : i32
      %dma_start3A_506 = tpu.memref_slice %arg9[%add3A_504, %dma_start3A_505] : memref<512x64xf32, #tpu.memory_space<vmem>> -> memref<1x64xf32, #tpu.memory_space<vmem>>
      %dma_start3A_507 = tpu.memref_squeeze %dma_start3A_506 : memref<1x64xf32, #tpu.memory_space<vmem>> -> memref<64xf32, #tpu.memory_space<vmem>>
      %dma_start3A_508 = arith.constant 0 : i32
      %dma_start3A_509 = tpu.memref_slice %arg4[%shift_right_logical3A_498, %and3A_500, %dma_start3A_508] : memref<125000x8x64xf32, #tpu.memory_space<hbm>> -> memref<1x1x64xf32, #tpu.memory_space<hbm>>
      %dma_start3A_510 = tpu.memref_squeeze %dma_start3A_509 : memref<1x1x64xf32, #tpu.memory_space<hbm>> -> memref<64xf32, #tpu.memory_space<hbm>>
      %dma_start3A_511 = arith.constant 0 : i32
      %dma_start3A_512 = tpu.memref_slice %arg9[%add3A_504, %dma_start3A_511] : memref<512x64xf32, #tpu.memory_space<vmem>> -> memref<1x64xf32, #tpu.memory_space<vmem>>
      %dma_start3A_513 = tpu.memref_squeeze %dma_start3A_512 : memref<1x64xf32, #tpu.memory_space<vmem>> -> memref<64xf32, #tpu.memory_space<vmem>>
      %dma_start3A_514 = arith.constant 0 : i32
      %dma_start3A_515 = tpu.memref_slice %arg4[%shift_right_logical3A_498, %and3A_500, %dma_start3A_514] : memref<125000x8x64xf32, #tpu.memory_space<hbm>> -> memref<1x1x64xf32, #tpu.memory_space<hbm>>
      %dma_start3A_516 = tpu.memref_squeeze %dma_start3A_515 : memref<1x1x64xf32, #tpu.memory_space<hbm>> -> memref<64xf32, #tpu.memory_space<hbm>>
      tpu.enqueue_dma source(%dma_start3A_516 : memref<64xf32, #tpu.memory_space<hbm>>) target(%dma_start3A_513 : memref<64xf32, #tpu.memory_space<vmem>>) target_semaphore(%arg10 : memref<!tpu.dma_semaphore, #tpu.memory_space<semaphore_mem>>)
    }
    %scan3A_7 = arith.constant 32 : i32
    %scan3A_8 = arith.constant 0 : i32
    %scan3A_9 = arith.constant 0 : i32
    %scan3A_10 = arith.constant 512 : i32
    %scan3A_11 = arith.addi %scan3A_9, %scan3A_10 : i32
    %scan3A_12 = arith.constant 1 : i32
    scf.for %scan3A_40 = %scan3A_9 to %scan3A_11 step %scan3A_12  : i32 {
      %dma_wait3A_41 = arith.constant 0 : i32
      %dma_wait3A_42 = arith.constant 0 : i32
      %dma_wait3A_43 = arith.constant 0 : i32
      %dma_wait3A_44 = arith.constant 0 : i32
      %dma_wait3A_45 = tpu.memref_slice %arg9[%dma_wait3A_43, %dma_wait3A_44] : memref<512x64xf32, #tpu.memory_space<vmem>> -> memref<1x64xf32, #tpu.memory_space<vmem>>
      %dma_wait3A_46 = tpu.memref_squeeze %dma_wait3A_45 : memref<1x64xf32, #tpu.memory_space<vmem>> -> memref<64xf32, #tpu.memory_space<vmem>>
      %dma_wait3A_47 = arith.constant 0 : i32
      %dma_wait3A_48 = tpu.memref_slice %arg4[%dma_wait3A_41, %dma_wait3A_42, %dma_wait3A_47] : memref<125000x8x64xf32, #tpu.memory_space<hbm>> -> memref<1x1x64xf32, #tpu.memory_space<hbm>>
      %dma_wait3A_49 = tpu.memref_squeeze %dma_wait3A_48 : memref<1x1x64xf32, #tpu.memory_space<hbm>> -> memref<64xf32, #tpu.memory_space<hbm>>
      %dma_wait3A_50 = arith.constant 0 : i32
      %dma_wait3A_51 = tpu.memref_slice %arg9[%dma_wait3A_43, %dma_wait3A_50] : memref<512x64xf32, #tpu.memory_space<vmem>> -> memref<1x64xf32, #tpu.memory_space<vmem>>
      %dma_wait3A_52 = tpu.memref_squeeze %dma_wait3A_51 : memref<1x64xf32, #tpu.memory_space<vmem>> -> memref<64xf32, #tpu.memory_space<vmem>>
      %dma_wait3A_53 = arith.constant 0 : i32
      %dma_wait3A_54 = tpu.memref_slice %arg4[%dma_wait3A_41, %dma_wait3A_42, %dma_wait3A_53] : memref<125000x8x64xf32, #tpu.memory_space<hbm>> -> memref<1x1x64xf32, #tpu.memory_space<hbm>>
      %dma_wait3A_55 = tpu.memref_squeeze %dma_wait3A_54 : memref<1x1x64xf32, #tpu.memory_space<hbm>> -> memref<64xf32, #tpu.memory_space<hbm>>
      tpu.wait_dma2 semaphore(%arg10 : memref<!tpu.dma_semaphore, #tpu.memory_space<semaphore_mem>>) src(%dma_wait3A_55 : memref<64xf32, #tpu.memory_space<hbm>>) dst(%dma_wait3A_52 : memref<64xf32, #tpu.memory_space<vmem>>)
    }
    %scan3A_13 = arith.constant 512 : i32
    %dma_start3A = arith.constant 0 : i32
    %dma_start3A_14 = tpu.memref_slice %arg6[%mul3A_2, %dma_start3A] : memref<16384x64xf32, #tpu.memory_space<hbm>> -> memref<512x64xf32, #tpu.memory_space<hbm>>
    %dma_start3A_15 = arith.constant 0 : i32
    %dma_start3A_16 = tpu.memref_slice %arg6[%mul3A_2, %dma_start3A_15] : memref<16384x64xf32, #tpu.memory_space<hbm>> -> memref<512x64xf32, #tpu.memory_space<hbm>>
    tpu.enqueue_dma source(%arg9 : memref<512x64xf32, #tpu.memory_space<vmem>>) target(%dma_start3A_16 : memref<512x64xf32, #tpu.memory_space<hbm>>) target_semaphore(%arg11 : memref<!tpu.dma_semaphore, #tpu.memory_space<semaphore_mem>>)
    %dma_wait3A = arith.constant 0 : i32
    %dma_wait3A_17 = tpu.memref_slice %arg6[%mul3A_2, %dma_wait3A] : memref<16384x64xf32, #tpu.memory_space<hbm>> -> memref<512x64xf32, #tpu.memory_space<hbm>>
    %dma_wait3A_18 = arith.constant 0 : i32
    %dma_wait3A_19 = tpu.memref_slice %arg6[%mul3A_2, %dma_wait3A_18] : memref<16384x64xf32, #tpu.memory_space<hbm>> -> memref<512x64xf32, #tpu.memory_space<hbm>>
    tpu.wait_dma2 semaphore(%arg11 : memref<!tpu.dma_semaphore, #tpu.memory_space<semaphore_mem>>) src(%arg9 : memref<512x64xf32, #tpu.memory_space<vmem>>) dst(%dma_wait3A_19 : memref<512x64xf32, #tpu.memory_space<hbm>>)
    "tpu.region"() ({
      %run_scoped3A = tpu.sem_alloc : memref<!tpu.dma_semaphore, #tpu.memory_space<semaphore_mem>>
      %dma_start3A_40 = tpu.memref_slice %arg3[%mul3A_2] : memref<16384xi32, #tpu.memory_space<hbm>> -> memref<512xi32, #tpu.memory_space<hbm>>
      %dma_start3A_41 = tpu.memref_slice %arg3[%mul3A_2] : memref<16384xi32, #tpu.memory_space<hbm>> -> memref<512xi32, #tpu.memory_space<hbm>>
      tpu.enqueue_dma source(%dma_start3A_41 : memref<512xi32, #tpu.memory_space<hbm>>) target(%arg8 : memref<512xi32, #tpu.memory_space<vmem>>) target_semaphore(%run_scoped3A : memref<!tpu.dma_semaphore, #tpu.memory_space<semaphore_mem>>)
      %dma_wait3A_42 = tpu.memref_slice %arg3[%mul3A_2] : memref<16384xi32, #tpu.memory_space<hbm>> -> memref<512xi32, #tpu.memory_space<hbm>>
      %dma_wait3A_43 = tpu.memref_slice %arg3[%mul3A_2] : memref<16384xi32, #tpu.memory_space<hbm>> -> memref<512xi32, #tpu.memory_space<hbm>>
      tpu.wait_dma2 semaphore(%run_scoped3A : memref<!tpu.dma_semaphore, #tpu.memory_space<semaphore_mem>>) src(%dma_wait3A_43 : memref<512xi32, #tpu.memory_space<hbm>>) dst(%arg8 : memref<512xi32, #tpu.memory_space<vmem>>)
      tpu.yield
    }) : () -> ()
    %scan3A_20 = arith.constant 0 : i32
    %scan3A_21 = arith.constant 0 : i32
    %scan3A_22 = arith.constant 32 : i32
    %scan3A_23 = arith.addi %scan3A_21, %scan3A_22 : i32
    %scan3A_24 = arith.constant 1 : i32
    scf.for %scan3A_40 = %scan3A_21 to %scan3A_23 step %scan3A_24  : i32 {
      %mul3A_41 = arith.constant 16 : i32
      %mul3A_42 = arith.muli %scan3A_40, %mul3A_41 : i32
      %get3A = arith.index_cast %mul3A_42 : i32 to index
      %get3A_43 = tpu.vector_load %arg8[%get3A] {strides = array<i32>} : memref<512xi32, #tpu.memory_space<vmem>>, vector<16xi32>,
      %eq3A = arith.constant 0 : i32
      %eq3A_44 = vector.broadcast %eq3A : i32 to vector<16xi32>
      %eq3A_45 = arith.cmpi eq, %iota3A, %eq3A_44 : vector<16xi32>
      %jit3A = arith.constant 0 : i32
      %broadcast_in_dim3A = vector.broadcast %jit3A : i32 to vector<16xi32>
      %select_n3A = arith.select %eq3A_45, %get3A_43, %broadcast_in_dim3A : vector<16xi1>, vector<16xi32>
      %reduce_sum3A = arith.constant true
      %reduce_sum3A_46 = vector.broadcast %reduce_sum3A : i1 to vector<16xi1>
      %reduce_sum3A_47 = tpu.scan <sum>, %select_n3A masked %reduce_sum3A_46 : vector<16xi32>, vector<16xi1> -> vector<16xi32>
      %reduce_sum3A_48 = vector.extract %reduce_sum3A_47[15] : i32 from vector<16xi32>
      %shift_right_logical3A = arith.constant 3 : i32
      %shift_right_logical3A_49 = arith.shrui %reduce_sum3A_48, %shift_right_logical3A : i32
      %and3A = arith.constant 7 : i32
      %and3A_50 = arith.andi %reduce_sum3A_48, %and3A : i32
      %mul3A_51 = arith.constant 16 : i32
      %mul3A_52 = arith.muli %scan3A_40, %mul3A_51 : i32
      %add3A_53 = arith.constant 0 : i32
      %add3A_54 = arith.addi %mul3A_52, %add3A_53 : i32
      %dma_start3A_55 = arith.constant 0 : i32
      %dma_start3A_56 = tpu.memref_slice %arg9[%add3A_54, %dma_start3A_55] : memref<512x64xf32, #tpu.memory_space<vmem>> -> memref<1x64xf32, #tpu.memory_space<vmem>>
      %dma_start3A_57 = tpu.memref_squeeze %dma_start3A_56 : memref<1x64xf32, #tpu.memory_space<vmem>> -> memref<64xf32, #tpu.memory_space<vmem>>
      %dma_start3A_58 = arith.constant 0 : i32
      %dma_start3A_59 = tpu.memref_slice %arg5[%shift_right_logical3A_49, %and3A_50, %dma_start3A_58] : memref<12500x8x64xf32, #tpu.memory_space<hbm>> -> memref<1x1x64xf32, #tpu.memory_space<hbm>>
      %dma_start3A_60 = tpu.memref_squeeze %dma_start3A_59 : memref<1x1x64xf32, #tpu.memory_space<hbm>> -> memref<64xf32, #tpu.memory_space<hbm>>
      %dma_start3A_61 = arith.constant 0 : i32
      %dma_start3A_62 = tpu.memref_slice %arg9[%add3A_54, %dma_start3A_61] : memref<512x64xf32, #tpu.memory_space<vmem>> -> memref<1x64xf32, #tpu.memory_space<vmem>>
      %dma_start3A_63 = tpu.memref_squeeze %dma_start3A_62 : memref<1x64xf32, #tpu.memory_space<vmem>> -> memref<64xf32, #tpu.memory_space<vmem>>
      %dma_start3A_64 = arith.constant 0 : i32
      %dma_start3A_65 = tpu.memref_slice %arg5[%shift_right_logical3A_49, %and3A_50, %dma_start3A_64] : memref<12500x8x64xf32, #tpu.memory_space<hbm>> -> memref<1x1x64xf32, #tpu.memory_space<hbm>>
      %dma_start3A_66 = tpu.memref_squeeze %dma_start3A_65 : memref<1x1x64xf32, #tpu.memory_space<hbm>> -> memref<64xf32, #tpu.memory_space<hbm>>
      tpu.enqueue_dma source(%dma_start3A_66 : memref<64xf32, #tpu.memory_space<hbm>>) target(%dma_start3A_63 : memref<64xf32, #tpu.memory_space<vmem>>) target_semaphore(%arg10 : memref<!tpu.dma_semaphore, #tpu.memory_space<semaphore_mem>>)
      %eq3A_67 = arith.constant 1 : i32
      %eq3A_68 = vector.broadcast %eq3A_67 : i32 to vector<16xi32>
      %eq3A_69 = arith.cmpi eq, %iota3A, %eq3A_68 : vector<16xi32>
      %jit3A_70 = arith.constant 0 : i32
      %broadcast_in_dim3A_71 = vector.broadcast %jit3A_70 : i32 to vector<16xi32>
      %select_n3A_72 = arith.select %eq3A_69, %get3A_43, %broadcast_in_dim3A_71 : vector<16xi1>, vector<16xi32>
      %reduce_sum3A_73 = arith.constant true
      %reduce_sum3A_74 = vector.broadcast %reduce_sum3A_73 : i1 to vector<16xi1>
      %reduce_sum3A_75 = tpu.scan <sum>, %select_n3A_72 masked %reduce_sum3A_74 : vector<16xi32>, vector<16xi1> -> vector<16xi32>
      %reduce_sum3A_76 = vector.extract %reduce_sum3A_75[15] : i32 from vector<16xi32>
      %shift_right_logical3A_77 = arith.constant 3 : i32
      %shift_right_logical3A_78 = arith.shrui %reduce_sum3A_76, %shift_right_logical3A_77 : i32
      %and3A_79 = arith.constant 7 : i32
      %and3A_80 = arith.andi %reduce_sum3A_76, %and3A_79 : i32
      %mul3A_81 = arith.constant 16 : i32
      %mul3A_82 = arith.muli %scan3A_40, %mul3A_81 : i32
      %add3A_83 = arith.constant 1 : i32
      %add3A_84 = arith.addi %mul3A_82, %add3A_83 : i32
      %dma_start3A_85 = arith.constant 0 : i32
      %dma_start3A_86 = tpu.memref_slice %arg9[%add3A_84, %dma_start3A_85] : memref<512x64xf32, #tpu.memory_space<vmem>> -> memref<1x64xf32, #tpu.memory_space<vmem>>
      %dma_start3A_87 = tpu.memref_squeeze %dma_start3A_86 : memref<1x64xf32, #tpu.memory_space<vmem>> -> memref<64xf32, #tpu.memory_space<vmem>>
      %dma_start3A_88 = arith.constant 0 : i32
      %dma_start3A_89 = tpu.memref_slice %arg5[%shift_right_logical3A_78, %and3A_80, %dma_start3A_88] : memref<12500x8x64xf32, #tpu.memory_space<hbm>> -> memref<1x1x64xf32, #tpu.memory_space<hbm>>
      %dma_start3A_90 = tpu.memref_squeeze %dma_start3A_89 : memref<1x1x64xf32, #tpu.memory_space<hbm>> -> memref<64xf32, #tpu.memory_space<hbm>>
      %dma_start3A_91 = arith.constant 0 : i32
      %dma_start3A_92 = tpu.memref_slice %arg9[%add3A_84, %dma_start3A_91] : memref<512x64xf32, #tpu.memory_space<vmem>> -> memref<1x64xf32, #tpu.memory_space<vmem>>
      %dma_start3A_93 = tpu.memref_squeeze %dma_start3A_92 : memref<1x64xf32, #tpu.memory_space<vmem>> -> memref<64xf32, #tpu.memory_space<vmem>>
      %dma_start3A_94 = arith.constant 0 : i32
      %dma_start3A_95 = tpu.memref_slice %arg5[%shift_right_logical3A_78, %and3A_80, %dma_start3A_94] : memref<12500x8x64xf32, #tpu.memory_space<hbm>> -> memref<1x1x64xf32, #tpu.memory_space<hbm>>
      %dma_start3A_96 = tpu.memref_squeeze %dma_start3A_95 : memref<1x1x64xf32, #tpu.memory_space<hbm>> -> memref<64xf32, #tpu.memory_space<hbm>>
      tpu.enqueue_dma source(%dma_start3A_96 : memref<64xf32, #tpu.memory_space<hbm>>) target(%dma_start3A_93 : memref<64xf32, #tpu.memory_space<vmem>>) target_semaphore(%arg10 : memref<!tpu.dma_semaphore, #tpu.memory_space<semaphore_mem>>)
      %eq3A_97 = arith.constant 2 : i32
      %eq3A_98 = vector.broadcast %eq3A_97 : i32 to vector<16xi32>
      %eq3A_99 = arith.cmpi eq, %iota3A, %eq3A_98 : vector<16xi32>
      %jit3A_100 = arith.constant 0 : i32
      %broadcast_in_dim3A_101 = vector.broadcast %jit3A_100 : i32 to vector<16xi32>
      %select_n3A_102 = arith.select %eq3A_99, %get3A_43, %broadcast_in_dim3A_101 : vector<16xi1>, vector<16xi32>
      %reduce_sum3A_103 = arith.constant true
      %reduce_sum3A_104 = vector.broadcast %reduce_sum3A_103 : i1 to vector<16xi1>
      %reduce_sum3A_105 = tpu.scan <sum>, %select_n3A_102 masked %reduce_sum3A_104 : vector<16xi32>, vector<16xi1> -> vector<16xi32>
      %reduce_sum3A_106 = vector.extract %reduce_sum3A_105[15] : i32 from vector<16xi32>
      %shift_right_logical3A_107 = arith.constant 3 : i32
      %shift_right_logical3A_108 = arith.shrui %reduce_sum3A_106, %shift_right_logical3A_107 : i32
      %and3A_109 = arith.constant 7 : i32
      %and3A_110 = arith.andi %reduce_sum3A_106, %and3A_109 : i32
      %mul3A_111 = arith.constant 16 : i32
      %mul3A_112 = arith.muli %scan3A_40, %mul3A_111 : i32
      %add3A_113 = arith.constant 2 : i32
      %add3A_114 = arith.addi %mul3A_112, %add3A_113 : i32
      %dma_start3A_115 = arith.constant 0 : i32
      %dma_start3A_116 = tpu.memref_slice %arg9[%add3A_114, %dma_start3A_115] : memref<512x64xf32, #tpu.memory_space<vmem>> -> memref<1x64xf32, #tpu.memory_space<vmem>>
      %dma_start3A_117 = tpu.memref_squeeze %dma_start3A_116 : memref<1x64xf32, #tpu.memory_space<vmem>> -> memref<64xf32, #tpu.memory_space<vmem>>
      %dma_start3A_118 = arith.constant 0 : i32
      %dma_start3A_119 = tpu.memref_slice %arg5[%shift_right_logical3A_108, %and3A_110, %dma_start3A_118] : memref<12500x8x64xf32, #tpu.memory_space<hbm>> -> memref<1x1x64xf32, #tpu.memory_space<hbm>>
      %dma_start3A_120 = tpu.memref_squeeze %dma_start3A_119 : memref<1x1x64xf32, #tpu.memory_space<hbm>> -> memref<64xf32, #tpu.memory_space<hbm>>
      %dma_start3A_121 = arith.constant 0 : i32
      %dma_start3A_122 = tpu.memref_slice %arg9[%add3A_114, %dma_start3A_121] : memref<512x64xf32, #tpu.memory_space<vmem>> -> memref<1x64xf32, #tpu.memory_space<vmem>>
      %dma_start3A_123 = tpu.memref_squeeze %dma_start3A_122 : memref<1x64xf32, #tpu.memory_space<vmem>> -> memref<64xf32, #tpu.memory_space<vmem>>
      %dma_start3A_124 = arith.constant 0 : i32
      %dma_start3A_125 = tpu.memref_slice %arg5[%shift_right_logical3A_108, %and3A_110, %dma_start3A_124] : memref<12500x8x64xf32, #tpu.memory_space<hbm>> -> memref<1x1x64xf32, #tpu.memory_space<hbm>>
      %dma_start3A_126 = tpu.memref_squeeze %dma_start3A_125 : memref<1x1x64xf32, #tpu.memory_space<hbm>> -> memref<64xf32, #tpu.memory_space<hbm>>
      tpu.enqueue_dma source(%dma_start3A_126 : memref<64xf32, #tpu.memory_space<hbm>>) target(%dma_start3A_123 : memref<64xf32, #tpu.memory_space<vmem>>) target_semaphore(%arg10 : memref<!tpu.dma_semaphore, #tpu.memory_space<semaphore_mem>>)
      %eq3A_127 = arith.constant 3 : i32
      %eq3A_128 = vector.broadcast %eq3A_127 : i32 to vector<16xi32>
      %eq3A_129 = arith.cmpi eq, %iota3A, %eq3A_128 : vector<16xi32>
      %jit3A_130 = arith.constant 0 : i32
      %broadcast_in_dim3A_131 = vector.broadcast %jit3A_130 : i32 to vector<16xi32>
      %select_n3A_132 = arith.select %eq3A_129, %get3A_43, %broadcast_in_dim3A_131 : vector<16xi1>, vector<16xi32>
      %reduce_sum3A_133 = arith.constant true
      %reduce_sum3A_134 = vector.broadcast %reduce_sum3A_133 : i1 to vector<16xi1>
      %reduce_sum3A_135 = tpu.scan <sum>, %select_n3A_132 masked %reduce_sum3A_134 : vector<16xi32>, vector<16xi1> -> vector<16xi32>
      %reduce_sum3A_136 = vector.extract %reduce_sum3A_135[15] : i32 from vector<16xi32>
      %shift_right_logical3A_137 = arith.constant 3 : i32
      %shift_right_logical3A_138 = arith.shrui %reduce_sum3A_136, %shift_right_logical3A_137 : i32
      %and3A_139 = arith.constant 7 : i32
      %and3A_140 = arith.andi %reduce_sum3A_136, %and3A_139 : i32
      %mul3A_141 = arith.constant 16 : i32
      %mul3A_142 = arith.muli %scan3A_40, %mul3A_141 : i32
      %add3A_143 = arith.constant 3 : i32
      %add3A_144 = arith.addi %mul3A_142, %add3A_143 : i32
      %dma_start3A_145 = arith.constant 0 : i32
      %dma_start3A_146 = tpu.memref_slice %arg9[%add3A_144, %dma_start3A_145] : memref<512x64xf32, #tpu.memory_space<vmem>> -> memref<1x64xf32, #tpu.memory_space<vmem>>
      %dma_start3A_147 = tpu.memref_squeeze %dma_start3A_146 : memref<1x64xf32, #tpu.memory_space<vmem>> -> memref<64xf32, #tpu.memory_space<vmem>>
      %dma_start3A_148 = arith.constant 0 : i32
      %dma_start3A_149 = tpu.memref_slice %arg5[%shift_right_logical3A_138, %and3A_140, %dma_start3A_148] : memref<12500x8x64xf32, #tpu.memory_space<hbm>> -> memref<1x1x64xf32, #tpu.memory_space<hbm>>
      %dma_start3A_150 = tpu.memref_squeeze %dma_start3A_149 : memref<1x1x64xf32, #tpu.memory_space<hbm>> -> memref<64xf32, #tpu.memory_space<hbm>>
      %dma_start3A_151 = arith.constant 0 : i32
      %dma_start3A_152 = tpu.memref_slice %arg9[%add3A_144, %dma_start3A_151] : memref<512x64xf32, #tpu.memory_space<vmem>> -> memref<1x64xf32, #tpu.memory_space<vmem>>
      %dma_start3A_153 = tpu.memref_squeeze %dma_start3A_152 : memref<1x64xf32, #tpu.memory_space<vmem>> -> memref<64xf32, #tpu.memory_space<vmem>>
      %dma_start3A_154 = arith.constant 0 : i32
      %dma_start3A_155 = tpu.memref_slice %arg5[%shift_right_logical3A_138, %and3A_140, %dma_start3A_154] : memref<12500x8x64xf32, #tpu.memory_space<hbm>> -> memref<1x1x64xf32, #tpu.memory_space<hbm>>
      %dma_start3A_156 = tpu.memref_squeeze %dma_start3A_155 : memref<1x1x64xf32, #tpu.memory_space<hbm>> -> memref<64xf32, #tpu.memory_space<hbm>>
      tpu.enqueue_dma source(%dma_start3A_156 : memref<64xf32, #tpu.memory_space<hbm>>) target(%dma_start3A_153 : memref<64xf32, #tpu.memory_space<vmem>>) target_semaphore(%arg10 : memref<!tpu.dma_semaphore, #tpu.memory_space<semaphore_mem>>)
      %eq3A_157 = arith.constant 4 : i32
      %eq3A_158 = vector.broadcast %eq3A_157 : i32 to vector<16xi32>
      %eq3A_159 = arith.cmpi eq, %iota3A, %eq3A_158 : vector<16xi32>
      %jit3A_160 = arith.constant 0 : i32
      %broadcast_in_dim3A_161 = vector.broadcast %jit3A_160 : i32 to vector<16xi32>
      %select_n3A_162 = arith.select %eq3A_159, %get3A_43, %broadcast_in_dim3A_161 : vector<16xi1>, vector<16xi32>
      %reduce_sum3A_163 = arith.constant true
      %reduce_sum3A_164 = vector.broadcast %reduce_sum3A_163 : i1 to vector<16xi1>
      %reduce_sum3A_165 = tpu.scan <sum>, %select_n3A_162 masked %reduce_sum3A_164 : vector<16xi32>, vector<16xi1> -> vector<16xi32>
      %reduce_sum3A_166 = vector.extract %reduce_sum3A_165[15] : i32 from vector<16xi32>
      %shift_right_logical3A_167 = arith.constant 3 : i32
      %shift_right_logical3A_168 = arith.shrui %reduce_sum3A_166, %shift_right_logical3A_167 : i32
      %and3A_169 = arith.constant 7 : i32
      %and3A_170 = arith.andi %reduce_sum3A_166, %and3A_169 : i32
      %mul3A_171 = arith.constant 16 : i32
      %mul3A_172 = arith.muli %scan3A_40, %mul3A_171 : i32
      %add3A_173 = arith.constant 4 : i32
      %add3A_174 = arith.addi %mul3A_172, %add3A_173 : i32
      %dma_start3A_175 = arith.constant 0 : i32
      %dma_start3A_176 = tpu.memref_slice %arg9[%add3A_174, %dma_start3A_175] : memref<512x64xf32, #tpu.memory_space<vmem>> -> memref<1x64xf32, #tpu.memory_space<vmem>>
      %dma_start3A_177 = tpu.memref_squeeze %dma_start3A_176 : memref<1x64xf32, #tpu.memory_space<vmem>> -> memref<64xf32, #tpu.memory_space<vmem>>
      %dma_start3A_178 = arith.constant 0 : i32
      %dma_start3A_179 = tpu.memref_slice %arg5[%shift_right_logical3A_168, %and3A_170, %dma_start3A_178] : memref<12500x8x64xf32, #tpu.memory_space<hbm>> -> memref<1x1x64xf32, #tpu.memory_space<hbm>>
      %dma_start3A_180 = tpu.memref_squeeze %dma_start3A_179 : memref<1x1x64xf32, #tpu.memory_space<hbm>> -> memref<64xf32, #tpu.memory_space<hbm>>
      %dma_start3A_181 = arith.constant 0 : i32
      %dma_start3A_182 = tpu.memref_slice %arg9[%add3A_174, %dma_start3A_181] : memref<512x64xf32, #tpu.memory_space<vmem>> -> memref<1x64xf32, #tpu.memory_space<vmem>>
      %dma_start3A_183 = tpu.memref_squeeze %dma_start3A_182 : memref<1x64xf32, #tpu.memory_space<vmem>> -> memref<64xf32, #tpu.memory_space<vmem>>
      %dma_start3A_184 = arith.constant 0 : i32
      %dma_start3A_185 = tpu.memref_slice %arg5[%shift_right_logical3A_168, %and3A_170, %dma_start3A_184] : memref<12500x8x64xf32, #tpu.memory_space<hbm>> -> memref<1x1x64xf32, #tpu.memory_space<hbm>>
      %dma_start3A_186 = tpu.memref_squeeze %dma_start3A_185 : memref<1x1x64xf32, #tpu.memory_space<hbm>> -> memref<64xf32, #tpu.memory_space<hbm>>
      tpu.enqueue_dma source(%dma_start3A_186 : memref<64xf32, #tpu.memory_space<hbm>>) target(%dma_start3A_183 : memref<64xf32, #tpu.memory_space<vmem>>) target_semaphore(%arg10 : memref<!tpu.dma_semaphore, #tpu.memory_space<semaphore_mem>>)
      %eq3A_187 = arith.constant 5 : i32
      %eq3A_188 = vector.broadcast %eq3A_187 : i32 to vector<16xi32>
      %eq3A_189 = arith.cmpi eq, %iota3A, %eq3A_188 : vector<16xi32>
      %jit3A_190 = arith.constant 0 : i32
      %broadcast_in_dim3A_191 = vector.broadcast %jit3A_190 : i32 to vector<16xi32>
      %select_n3A_192 = arith.select %eq3A_189, %get3A_43, %broadcast_in_dim3A_191 : vector<16xi1>, vector<16xi32>
      %reduce_sum3A_193 = arith.constant true
      %reduce_sum3A_194 = vector.broadcast %reduce_sum3A_193 : i1 to vector<16xi1>
      %reduce_sum3A_195 = tpu.scan <sum>, %select_n3A_192 masked %reduce_sum3A_194 : vector<16xi32>, vector<16xi1> -> vector<16xi32>
      %reduce_sum3A_196 = vector.extract %reduce_sum3A_195[15] : i32 from vector<16xi32>
      %shift_right_logical3A_197 = arith.constant 3 : i32
      %shift_right_logical3A_198 = arith.shrui %reduce_sum3A_196, %shift_right_logical3A_197 : i32
      %and3A_199 = arith.constant 7 : i32
      %and3A_200 = arith.andi %reduce_sum3A_196, %and3A_199 : i32
      %mul3A_201 = arith.constant 16 : i32
      %mul3A_202 = arith.muli %scan3A_40, %mul3A_201 : i32
      %add3A_203 = arith.constant 5 : i32
      %add3A_204 = arith.addi %mul3A_202, %add3A_203 : i32
      %dma_start3A_205 = arith.constant 0 : i32
      %dma_start3A_206 = tpu.memref_slice %arg9[%add3A_204, %dma_start3A_205] : memref<512x64xf32, #tpu.memory_space<vmem>> -> memref<1x64xf32, #tpu.memory_space<vmem>>
      %dma_start3A_207 = tpu.memref_squeeze %dma_start3A_206 : memref<1x64xf32, #tpu.memory_space<vmem>> -> memref<64xf32, #tpu.memory_space<vmem>>
      %dma_start3A_208 = arith.constant 0 : i32
      %dma_start3A_209 = tpu.memref_slice %arg5[%shift_right_logical3A_198, %and3A_200, %dma_start3A_208] : memref<12500x8x64xf32, #tpu.memory_space<hbm>> -> memref<1x1x64xf32, #tpu.memory_space<hbm>>
      %dma_start3A_210 = tpu.memref_squeeze %dma_start3A_209 : memref<1x1x64xf32, #tpu.memory_space<hbm>> -> memref<64xf32, #tpu.memory_space<hbm>>
      %dma_start3A_211 = arith.constant 0 : i32
      %dma_start3A_212 = tpu.memref_slice %arg9[%add3A_204, %dma_start3A_211] : memref<512x64xf32, #tpu.memory_space<vmem>> -> memref<1x64xf32, #tpu.memory_space<vmem>>
      %dma_start3A_213 = tpu.memref_squeeze %dma_start3A_212 : memref<1x64xf32, #tpu.memory_space<vmem>> -> memref<64xf32, #tpu.memory_space<vmem>>
      %dma_start3A_214 = arith.constant 0 : i32
      %dma_start3A_215 = tpu.memref_slice %arg5[%shift_right_logical3A_198, %and3A_200, %dma_start3A_214] : memref<12500x8x64xf32, #tpu.memory_space<hbm>> -> memref<1x1x64xf32, #tpu.memory_space<hbm>>
      %dma_start3A_216 = tpu.memref_squeeze %dma_start3A_215 : memref<1x1x64xf32, #tpu.memory_space<hbm>> -> memref<64xf32, #tpu.memory_space<hbm>>
      tpu.enqueue_dma source(%dma_start3A_216 : memref<64xf32, #tpu.memory_space<hbm>>) target(%dma_start3A_213 : memref<64xf32, #tpu.memory_space<vmem>>) target_semaphore(%arg10 : memref<!tpu.dma_semaphore, #tpu.memory_space<semaphore_mem>>)
      %eq3A_217 = arith.constant 6 : i32
      %eq3A_218 = vector.broadcast %eq3A_217 : i32 to vector<16xi32>
      %eq3A_219 = arith.cmpi eq, %iota3A, %eq3A_218 : vector<16xi32>
      %jit3A_220 = arith.constant 0 : i32
      %broadcast_in_dim3A_221 = vector.broadcast %jit3A_220 : i32 to vector<16xi32>
      %select_n3A_222 = arith.select %eq3A_219, %get3A_43, %broadcast_in_dim3A_221 : vector<16xi1>, vector<16xi32>
      %reduce_sum3A_223 = arith.constant true
      %reduce_sum3A_224 = vector.broadcast %reduce_sum3A_223 : i1 to vector<16xi1>
      %reduce_sum3A_225 = tpu.scan <sum>, %select_n3A_222 masked %reduce_sum3A_224 : vector<16xi32>, vector<16xi1> -> vector<16xi32>
      %reduce_sum3A_226 = vector.extract %reduce_sum3A_225[15] : i32 from vector<16xi32>
      %shift_right_logical3A_227 = arith.constant 3 : i32
      %shift_right_logical3A_228 = arith.shrui %reduce_sum3A_226, %shift_right_logical3A_227 : i32
      %and3A_229 = arith.constant 7 : i32
      %and3A_230 = arith.andi %reduce_sum3A_226, %and3A_229 : i32
      %mul3A_231 = arith.constant 16 : i32
      %mul3A_232 = arith.muli %scan3A_40, %mul3A_231 : i32
      %add3A_233 = arith.constant 6 : i32
      %add3A_234 = arith.addi %mul3A_232, %add3A_233 : i32
      %dma_start3A_235 = arith.constant 0 : i32
      %dma_start3A_236 = tpu.memref_slice %arg9[%add3A_234, %dma_start3A_235] : memref<512x64xf32, #tpu.memory_space<vmem>> -> memref<1x64xf32, #tpu.memory_space<vmem>>
      %dma_start3A_237 = tpu.memref_squeeze %dma_start3A_236 : memref<1x64xf32, #tpu.memory_space<vmem>> -> memref<64xf32, #tpu.memory_space<vmem>>
      %dma_start3A_238 = arith.constant 0 : i32
      %dma_start3A_239 = tpu.memref_slice %arg5[%shift_right_logical3A_228, %and3A_230, %dma_start3A_238] : memref<12500x8x64xf32, #tpu.memory_space<hbm>> -> memref<1x1x64xf32, #tpu.memory_space<hbm>>
      %dma_start3A_240 = tpu.memref_squeeze %dma_start3A_239 : memref<1x1x64xf32, #tpu.memory_space<hbm>> -> memref<64xf32, #tpu.memory_space<hbm>>
      %dma_start3A_241 = arith.constant 0 : i32
      %dma_start3A_242 = tpu.memref_slice %arg9[%add3A_234, %dma_start3A_241] : memref<512x64xf32, #tpu.memory_space<vmem>> -> memref<1x64xf32, #tpu.memory_space<vmem>>
      %dma_start3A_243 = tpu.memref_squeeze %dma_start3A_242 : memref<1x64xf32, #tpu.memory_space<vmem>> -> memref<64xf32, #tpu.memory_space<vmem>>
      %dma_start3A_244 = arith.constant 0 : i32
      %dma_start3A_245 = tpu.memref_slice %arg5[%shift_right_logical3A_228, %and3A_230, %dma_start3A_244] : memref<12500x8x64xf32, #tpu.memory_space<hbm>> -> memref<1x1x64xf32, #tpu.memory_space<hbm>>
      %dma_start3A_246 = tpu.memref_squeeze %dma_start3A_245 : memref<1x1x64xf32, #tpu.memory_space<hbm>> -> memref<64xf32, #tpu.memory_space<hbm>>
      tpu.enqueue_dma source(%dma_start3A_246 : memref<64xf32, #tpu.memory_space<hbm>>) target(%dma_start3A_243 : memref<64xf32, #tpu.memory_space<vmem>>) target_semaphore(%arg10 : memref<!tpu.dma_semaphore, #tpu.memory_space<semaphore_mem>>)
      %eq3A_247 = arith.constant 7 : i32
      %eq3A_248 = vector.broadcast %eq3A_247 : i32 to vector<16xi32>
      %eq3A_249 = arith.cmpi eq, %iota3A, %eq3A_248 : vector<16xi32>
      %jit3A_250 = arith.constant 0 : i32
      %broadcast_in_dim3A_251 = vector.broadcast %jit3A_250 : i32 to vector<16xi32>
      %select_n3A_252 = arith.select %eq3A_249, %get3A_43, %broadcast_in_dim3A_251 : vector<16xi1>, vector<16xi32>
      %reduce_sum3A_253 = arith.constant true
      %reduce_sum3A_254 = vector.broadcast %reduce_sum3A_253 : i1 to vector<16xi1>
      %reduce_sum3A_255 = tpu.scan <sum>, %select_n3A_252 masked %reduce_sum3A_254 : vector<16xi32>, vector<16xi1> -> vector<16xi32>
      %reduce_sum3A_256 = vector.extract %reduce_sum3A_255[15] : i32 from vector<16xi32>
      %shift_right_logical3A_257 = arith.constant 3 : i32
      %shift_right_logical3A_258 = arith.shrui %reduce_sum3A_256, %shift_right_logical3A_257 : i32
      %and3A_259 = arith.constant 7 : i32
      %and3A_260 = arith.andi %reduce_sum3A_256, %and3A_259 : i32
      %mul3A_261 = arith.constant 16 : i32
      %mul3A_262 = arith.muli %scan3A_40, %mul3A_261 : i32
      %add3A_263 = arith.constant 7 : i32
      %add3A_264 = arith.addi %mul3A_262, %add3A_263 : i32
      %dma_start3A_265 = arith.constant 0 : i32
      %dma_start3A_266 = tpu.memref_slice %arg9[%add3A_264, %dma_start3A_265] : memref<512x64xf32, #tpu.memory_space<vmem>> -> memref<1x64xf32, #tpu.memory_space<vmem>>
      %dma_start3A_267 = tpu.memref_squeeze %dma_start3A_266 : memref<1x64xf32, #tpu.memory_space<vmem>> -> memref<64xf32, #tpu.memory_space<vmem>>
      %dma_start3A_268 = arith.constant 0 : i32
      %dma_start3A_269 = tpu.memref_slice %arg5[%shift_right_logical3A_258, %and3A_260, %dma_start3A_268] : memref<12500x8x64xf32, #tpu.memory_space<hbm>> -> memref<1x1x64xf32, #tpu.memory_space<hbm>>
      %dma_start3A_270 = tpu.memref_squeeze %dma_start3A_269 : memref<1x1x64xf32, #tpu.memory_space<hbm>> -> memref<64xf32, #tpu.memory_space<hbm>>
      %dma_start3A_271 = arith.constant 0 : i32
      %dma_start3A_272 = tpu.memref_slice %arg9[%add3A_264, %dma_start3A_271] : memref<512x64xf32, #tpu.memory_space<vmem>> -> memref<1x64xf32, #tpu.memory_space<vmem>>
      %dma_start3A_273 = tpu.memref_squeeze %dma_start3A_272 : memref<1x64xf32, #tpu.memory_space<vmem>> -> memref<64xf32, #tpu.memory_space<vmem>>
      %dma_start3A_274 = arith.constant 0 : i32
      %dma_start3A_275 = tpu.memref_slice %arg5[%shift_right_logical3A_258, %and3A_260, %dma_start3A_274] : memref<12500x8x64xf32, #tpu.memory_space<hbm>> -> memref<1x1x64xf32, #tpu.memory_space<hbm>>
      %dma_start3A_276 = tpu.memref_squeeze %dma_start3A_275 : memref<1x1x64xf32, #tpu.memory_space<hbm>> -> memref<64xf32, #tpu.memory_space<hbm>>
      tpu.enqueue_dma source(%dma_start3A_276 : memref<64xf32, #tpu.memory_space<hbm>>) target(%dma_start3A_273 : memref<64xf32, #tpu.memory_space<vmem>>) target_semaphore(%arg10 : memref<!tpu.dma_semaphore, #tpu.memory_space<semaphore_mem>>)
      %eq3A_277 = arith.constant 8 : i32
      %eq3A_278 = vector.broadcast %eq3A_277 : i32 to vector<16xi32>
      %eq3A_279 = arith.cmpi eq, %iota3A, %eq3A_278 : vector<16xi32>
      %jit3A_280 = arith.constant 0 : i32
      %broadcast_in_dim3A_281 = vector.broadcast %jit3A_280 : i32 to vector<16xi32>
      %select_n3A_282 = arith.select %eq3A_279, %get3A_43, %broadcast_in_dim3A_281 : vector<16xi1>, vector<16xi32>
      %reduce_sum3A_283 = arith.constant true
      %reduce_sum3A_284 = vector.broadcast %reduce_sum3A_283 : i1 to vector<16xi1>
      %reduce_sum3A_285 = tpu.scan <sum>, %select_n3A_282 masked %reduce_sum3A_284 : vector<16xi32>, vector<16xi1> -> vector<16xi32>
      %reduce_sum3A_286 = vector.extract %reduce_sum3A_285[15] : i32 from vector<16xi32>
      %shift_right_logical3A_287 = arith.constant 3 : i32
      %shift_right_logical3A_288 = arith.shrui %reduce_sum3A_286, %shift_right_logical3A_287 : i32
      %and3A_289 = arith.constant 7 : i32
      %and3A_290 = arith.andi %reduce_sum3A_286, %and3A_289 : i32
      %mul3A_291 = arith.constant 16 : i32
      %mul3A_292 = arith.muli %scan3A_40, %mul3A_291 : i32
      %add3A_293 = arith.constant 8 : i32
      %add3A_294 = arith.addi %mul3A_292, %add3A_293 : i32
      %dma_start3A_295 = arith.constant 0 : i32
      %dma_start3A_296 = tpu.memref_slice %arg9[%add3A_294, %dma_start3A_295] : memref<512x64xf32, #tpu.memory_space<vmem>> -> memref<1x64xf32, #tpu.memory_space<vmem>>
      %dma_start3A_297 = tpu.memref_squeeze %dma_start3A_296 : memref<1x64xf32, #tpu.memory_space<vmem>> -> memref<64xf32, #tpu.memory_space<vmem>>
      %dma_start3A_298 = arith.constant 0 : i32
      %dma_start3A_299 = tpu.memref_slice %arg5[%shift_right_logical3A_288, %and3A_290, %dma_start3A_298] : memref<12500x8x64xf32, #tpu.memory_space<hbm>> -> memref<1x1x64xf32, #tpu.memory_space<hbm>>
      %dma_start3A_300 = tpu.memref_squeeze %dma_start3A_299 : memref<1x1x64xf32, #tpu.memory_space<hbm>> -> memref<64xf32, #tpu.memory_space<hbm>>
      %dma_start3A_301 = arith.constant 0 : i32
      %dma_start3A_302 = tpu.memref_slice %arg9[%add3A_294, %dma_start3A_301] : memref<512x64xf32, #tpu.memory_space<vmem>> -> memref<1x64xf32, #tpu.memory_space<vmem>>
      %dma_start3A_303 = tpu.memref_squeeze %dma_start3A_302 : memref<1x64xf32, #tpu.memory_space<vmem>> -> memref<64xf32, #tpu.memory_space<vmem>>
      %dma_start3A_304 = arith.constant 0 : i32
      %dma_start3A_305 = tpu.memref_slice %arg5[%shift_right_logical3A_288, %and3A_290, %dma_start3A_304] : memref<12500x8x64xf32, #tpu.memory_space<hbm>> -> memref<1x1x64xf32, #tpu.memory_space<hbm>>
      %dma_start3A_306 = tpu.memref_squeeze %dma_start3A_305 : memref<1x1x64xf32, #tpu.memory_space<hbm>> -> memref<64xf32, #tpu.memory_space<hbm>>
      tpu.enqueue_dma source(%dma_start3A_306 : memref<64xf32, #tpu.memory_space<hbm>>) target(%dma_start3A_303 : memref<64xf32, #tpu.memory_space<vmem>>) target_semaphore(%arg10 : memref<!tpu.dma_semaphore, #tpu.memory_space<semaphore_mem>>)
      %eq3A_307 = arith.constant 9 : i32
      %eq3A_308 = vector.broadcast %eq3A_307 : i32 to vector<16xi32>
      %eq3A_309 = arith.cmpi eq, %iota3A, %eq3A_308 : vector<16xi32>
      %jit3A_310 = arith.constant 0 : i32
      %broadcast_in_dim3A_311 = vector.broadcast %jit3A_310 : i32 to vector<16xi32>
      %select_n3A_312 = arith.select %eq3A_309, %get3A_43, %broadcast_in_dim3A_311 : vector<16xi1>, vector<16xi32>
      %reduce_sum3A_313 = arith.constant true
      %reduce_sum3A_314 = vector.broadcast %reduce_sum3A_313 : i1 to vector<16xi1>
      %reduce_sum3A_315 = tpu.scan <sum>, %select_n3A_312 masked %reduce_sum3A_314 : vector<16xi32>, vector<16xi1> -> vector<16xi32>
      %reduce_sum3A_316 = vector.extract %reduce_sum3A_315[15] : i32 from vector<16xi32>
      %shift_right_logical3A_317 = arith.constant 3 : i32
      %shift_right_logical3A_318 = arith.shrui %reduce_sum3A_316, %shift_right_logical3A_317 : i32
      %and3A_319 = arith.constant 7 : i32
      %and3A_320 = arith.andi %reduce_sum3A_316, %and3A_319 : i32
      %mul3A_321 = arith.constant 16 : i32
      %mul3A_322 = arith.muli %scan3A_40, %mul3A_321 : i32
      %add3A_323 = arith.constant 9 : i32
      %add3A_324 = arith.addi %mul3A_322, %add3A_323 : i32
      %dma_start3A_325 = arith.constant 0 : i32
      %dma_start3A_326 = tpu.memref_slice %arg9[%add3A_324, %dma_start3A_325] : memref<512x64xf32, #tpu.memory_space<vmem>> -> memref<1x64xf32, #tpu.memory_space<vmem>>
      %dma_start3A_327 = tpu.memref_squeeze %dma_start3A_326 : memref<1x64xf32, #tpu.memory_space<vmem>> -> memref<64xf32, #tpu.memory_space<vmem>>
      %dma_start3A_328 = arith.constant 0 : i32
      %dma_start3A_329 = tpu.memref_slice %arg5[%shift_right_logical3A_318, %and3A_320, %dma_start3A_328] : memref<12500x8x64xf32, #tpu.memory_space<hbm>> -> memref<1x1x64xf32, #tpu.memory_space<hbm>>
      %dma_start3A_330 = tpu.memref_squeeze %dma_start3A_329 : memref<1x1x64xf32, #tpu.memory_space<hbm>> -> memref<64xf32, #tpu.memory_space<hbm>>
      %dma_start3A_331 = arith.constant 0 : i32
      %dma_start3A_332 = tpu.memref_slice %arg9[%add3A_324, %dma_start3A_331] : memref<512x64xf32, #tpu.memory_space<vmem>> -> memref<1x64xf32, #tpu.memory_space<vmem>>
      %dma_start3A_333 = tpu.memref_squeeze %dma_start3A_332 : memref<1x64xf32, #tpu.memory_space<vmem>> -> memref<64xf32, #tpu.memory_space<vmem>>
      %dma_start3A_334 = arith.constant 0 : i32
      %dma_start3A_335 = tpu.memref_slice %arg5[%shift_right_logical3A_318, %and3A_320, %dma_start3A_334] : memref<12500x8x64xf32, #tpu.memory_space<hbm>> -> memref<1x1x64xf32, #tpu.memory_space<hbm>>
      %dma_start3A_336 = tpu.memref_squeeze %dma_start3A_335 : memref<1x1x64xf32, #tpu.memory_space<hbm>> -> memref<64xf32, #tpu.memory_space<hbm>>
      tpu.enqueue_dma source(%dma_start3A_336 : memref<64xf32, #tpu.memory_space<hbm>>) target(%dma_start3A_333 : memref<64xf32, #tpu.memory_space<vmem>>) target_semaphore(%arg10 : memref<!tpu.dma_semaphore, #tpu.memory_space<semaphore_mem>>)
      %eq3A_337 = arith.constant 10 : i32
      %eq3A_338 = vector.broadcast %eq3A_337 : i32 to vector<16xi32>
      %eq3A_339 = arith.cmpi eq, %iota3A, %eq3A_338 : vector<16xi32>
      %jit3A_340 = arith.constant 0 : i32
      %broadcast_in_dim3A_341 = vector.broadcast %jit3A_340 : i32 to vector<16xi32>
      %select_n3A_342 = arith.select %eq3A_339, %get3A_43, %broadcast_in_dim3A_341 : vector<16xi1>, vector<16xi32>
      %reduce_sum3A_343 = arith.constant true
      %reduce_sum3A_344 = vector.broadcast %reduce_sum3A_343 : i1 to vector<16xi1>
      %reduce_sum3A_345 = tpu.scan <sum>, %select_n3A_342 masked %reduce_sum3A_344 : vector<16xi32>, vector<16xi1> -> vector<16xi32>
      %reduce_sum3A_346 = vector.extract %reduce_sum3A_345[15] : i32 from vector<16xi32>
      %shift_right_logical3A_347 = arith.constant 3 : i32
      %shift_right_logical3A_348 = arith.shrui %reduce_sum3A_346, %shift_right_logical3A_347 : i32
      %and3A_349 = arith.constant 7 : i32
      %and3A_350 = arith.andi %reduce_sum3A_346, %and3A_349 : i32
      %mul3A_351 = arith.constant 16 : i32
      %mul3A_352 = arith.muli %scan3A_40, %mul3A_351 : i32
      %add3A_353 = arith.constant 10 : i32
      %add3A_354 = arith.addi %mul3A_352, %add3A_353 : i32
      %dma_start3A_355 = arith.constant 0 : i32
      %dma_start3A_356 = tpu.memref_slice %arg9[%add3A_354, %dma_start3A_355] : memref<512x64xf32, #tpu.memory_space<vmem>> -> memref<1x64xf32, #tpu.memory_space<vmem>>
      %dma_start3A_357 = tpu.memref_squeeze %dma_start3A_356 : memref<1x64xf32, #tpu.memory_space<vmem>> -> memref<64xf32, #tpu.memory_space<vmem>>
      %dma_start3A_358 = arith.constant 0 : i32
      %dma_start3A_359 = tpu.memref_slice %arg5[%shift_right_logical3A_348, %and3A_350, %dma_start3A_358] : memref<12500x8x64xf32, #tpu.memory_space<hbm>> -> memref<1x1x64xf32, #tpu.memory_space<hbm>>
      %dma_start3A_360 = tpu.memref_squeeze %dma_start3A_359 : memref<1x1x64xf32, #tpu.memory_space<hbm>> -> memref<64xf32, #tpu.memory_space<hbm>>
      %dma_start3A_361 = arith.constant 0 : i32
      %dma_start3A_362 = tpu.memref_slice %arg9[%add3A_354, %dma_start3A_361] : memref<512x64xf32, #tpu.memory_space<vmem>> -> memref<1x64xf32, #tpu.memory_space<vmem>>
      %dma_start3A_363 = tpu.memref_squeeze %dma_start3A_362 : memref<1x64xf32, #tpu.memory_space<vmem>> -> memref<64xf32, #tpu.memory_space<vmem>>
      %dma_start3A_364 = arith.constant 0 : i32
      %dma_start3A_365 = tpu.memref_slice %arg5[%shift_right_logical3A_348, %and3A_350, %dma_start3A_364] : memref<12500x8x64xf32, #tpu.memory_space<hbm>> -> memref<1x1x64xf32, #tpu.memory_space<hbm>>
      %dma_start3A_366 = tpu.memref_squeeze %dma_start3A_365 : memref<1x1x64xf32, #tpu.memory_space<hbm>> -> memref<64xf32, #tpu.memory_space<hbm>>
      tpu.enqueue_dma source(%dma_start3A_366 : memref<64xf32, #tpu.memory_space<hbm>>) target(%dma_start3A_363 : memref<64xf32, #tpu.memory_space<vmem>>) target_semaphore(%arg10 : memref<!tpu.dma_semaphore, #tpu.memory_space<semaphore_mem>>)
      %eq3A_367 = arith.constant 11 : i32
      %eq3A_368 = vector.broadcast %eq3A_367 : i32 to vector<16xi32>
      %eq3A_369 = arith.cmpi eq, %iota3A, %eq3A_368 : vector<16xi32>
      %jit3A_370 = arith.constant 0 : i32
      %broadcast_in_dim3A_371 = vector.broadcast %jit3A_370 : i32 to vector<16xi32>
      %select_n3A_372 = arith.select %eq3A_369, %get3A_43, %broadcast_in_dim3A_371 : vector<16xi1>, vector<16xi32>
      %reduce_sum3A_373 = arith.constant true
      %reduce_sum3A_374 = vector.broadcast %reduce_sum3A_373 : i1 to vector<16xi1>
      %reduce_sum3A_375 = tpu.scan <sum>, %select_n3A_372 masked %reduce_sum3A_374 : vector<16xi32>, vector<16xi1> -> vector<16xi32>
      %reduce_sum3A_376 = vector.extract %reduce_sum3A_375[15] : i32 from vector<16xi32>
      %shift_right_logical3A_377 = arith.constant 3 : i32
      %shift_right_logical3A_378 = arith.shrui %reduce_sum3A_376, %shift_right_logical3A_377 : i32
      %and3A_379 = arith.constant 7 : i32
      %and3A_380 = arith.andi %reduce_sum3A_376, %and3A_379 : i32
      %mul3A_381 = arith.constant 16 : i32
      %mul3A_382 = arith.muli %scan3A_40, %mul3A_381 : i32
      %add3A_383 = arith.constant 11 : i32
      %add3A_384 = arith.addi %mul3A_382, %add3A_383 : i32
      %dma_start3A_385 = arith.constant 0 : i32
      %dma_start3A_386 = tpu.memref_slice %arg9[%add3A_384, %dma_start3A_385] : memref<512x64xf32, #tpu.memory_space<vmem>> -> memref<1x64xf32, #tpu.memory_space<vmem>>
      %dma_start3A_387 = tpu.memref_squeeze %dma_start3A_386 : memref<1x64xf32, #tpu.memory_space<vmem>> -> memref<64xf32, #tpu.memory_space<vmem>>
      %dma_start3A_388 = arith.constant 0 : i32
      %dma_start3A_389 = tpu.memref_slice %arg5[%shift_right_logical3A_378, %and3A_380, %dma_start3A_388] : memref<12500x8x64xf32, #tpu.memory_space<hbm>> -> memref<1x1x64xf32, #tpu.memory_space<hbm>>
      %dma_start3A_390 = tpu.memref_squeeze %dma_start3A_389 : memref<1x1x64xf32, #tpu.memory_space<hbm>> -> memref<64xf32, #tpu.memory_space<hbm>>
      %dma_start3A_391 = arith.constant 0 : i32
      %dma_start3A_392 = tpu.memref_slice %arg9[%add3A_384, %dma_start3A_391] : memref<512x64xf32, #tpu.memory_space<vmem>> -> memref<1x64xf32, #tpu.memory_space<vmem>>
      %dma_start3A_393 = tpu.memref_squeeze %dma_start3A_392 : memref<1x64xf32, #tpu.memory_space<vmem>> -> memref<64xf32, #tpu.memory_space<vmem>>
      %dma_start3A_394 = arith.constant 0 : i32
      %dma_start3A_395 = tpu.memref_slice %arg5[%shift_right_logical3A_378, %and3A_380, %dma_start3A_394] : memref<12500x8x64xf32, #tpu.memory_space<hbm>> -> memref<1x1x64xf32, #tpu.memory_space<hbm>>
      %dma_start3A_396 = tpu.memref_squeeze %dma_start3A_395 : memref<1x1x64xf32, #tpu.memory_space<hbm>> -> memref<64xf32, #tpu.memory_space<hbm>>
      tpu.enqueue_dma source(%dma_start3A_396 : memref<64xf32, #tpu.memory_space<hbm>>) target(%dma_start3A_393 : memref<64xf32, #tpu.memory_space<vmem>>) target_semaphore(%arg10 : memref<!tpu.dma_semaphore, #tpu.memory_space<semaphore_mem>>)
      %eq3A_397 = arith.constant 12 : i32
      %eq3A_398 = vector.broadcast %eq3A_397 : i32 to vector<16xi32>
      %eq3A_399 = arith.cmpi eq, %iota3A, %eq3A_398 : vector<16xi32>
      %jit3A_400 = arith.constant 0 : i32
      %broadcast_in_dim3A_401 = vector.broadcast %jit3A_400 : i32 to vector<16xi32>
      %select_n3A_402 = arith.select %eq3A_399, %get3A_43, %broadcast_in_dim3A_401 : vector<16xi1>, vector<16xi32>
      %reduce_sum3A_403 = arith.constant true
      %reduce_sum3A_404 = vector.broadcast %reduce_sum3A_403 : i1 to vector<16xi1>
      %reduce_sum3A_405 = tpu.scan <sum>, %select_n3A_402 masked %reduce_sum3A_404 : vector<16xi32>, vector<16xi1> -> vector<16xi32>
      %reduce_sum3A_406 = vector.extract %reduce_sum3A_405[15] : i32 from vector<16xi32>
      %shift_right_logical3A_407 = arith.constant 3 : i32
      %shift_right_logical3A_408 = arith.shrui %reduce_sum3A_406, %shift_right_logical3A_407 : i32
      %and3A_409 = arith.constant 7 : i32
      %and3A_410 = arith.andi %reduce_sum3A_406, %and3A_409 : i32
      %mul3A_411 = arith.constant 16 : i32
      %mul3A_412 = arith.muli %scan3A_40, %mul3A_411 : i32
      %add3A_413 = arith.constant 12 : i32
      %add3A_414 = arith.addi %mul3A_412, %add3A_413 : i32
      %dma_start3A_415 = arith.constant 0 : i32
      %dma_start3A_416 = tpu.memref_slice %arg9[%add3A_414, %dma_start3A_415] : memref<512x64xf32, #tpu.memory_space<vmem>> -> memref<1x64xf32, #tpu.memory_space<vmem>>
      %dma_start3A_417 = tpu.memref_squeeze %dma_start3A_416 : memref<1x64xf32, #tpu.memory_space<vmem>> -> memref<64xf32, #tpu.memory_space<vmem>>
      %dma_start3A_418 = arith.constant 0 : i32
      %dma_start3A_419 = tpu.memref_slice %arg5[%shift_right_logical3A_408, %and3A_410, %dma_start3A_418] : memref<12500x8x64xf32, #tpu.memory_space<hbm>> -> memref<1x1x64xf32, #tpu.memory_space<hbm>>
      %dma_start3A_420 = tpu.memref_squeeze %dma_start3A_419 : memref<1x1x64xf32, #tpu.memory_space<hbm>> -> memref<64xf32, #tpu.memory_space<hbm>>
      %dma_start3A_421 = arith.constant 0 : i32
      %dma_start3A_422 = tpu.memref_slice %arg9[%add3A_414, %dma_start3A_421] : memref<512x64xf32, #tpu.memory_space<vmem>> -> memref<1x64xf32, #tpu.memory_space<vmem>>
      %dma_start3A_423 = tpu.memref_squeeze %dma_start3A_422 : memref<1x64xf32, #tpu.memory_space<vmem>> -> memref<64xf32, #tpu.memory_space<vmem>>
      %dma_start3A_424 = arith.constant 0 : i32
      %dma_start3A_425 = tpu.memref_slice %arg5[%shift_right_logical3A_408, %and3A_410, %dma_start3A_424] : memref<12500x8x64xf32, #tpu.memory_space<hbm>> -> memref<1x1x64xf32, #tpu.memory_space<hbm>>
      %dma_start3A_426 = tpu.memref_squeeze %dma_start3A_425 : memref<1x1x64xf32, #tpu.memory_space<hbm>> -> memref<64xf32, #tpu.memory_space<hbm>>
      tpu.enqueue_dma source(%dma_start3A_426 : memref<64xf32, #tpu.memory_space<hbm>>) target(%dma_start3A_423 : memref<64xf32, #tpu.memory_space<vmem>>) target_semaphore(%arg10 : memref<!tpu.dma_semaphore, #tpu.memory_space<semaphore_mem>>)
      %eq3A_427 = arith.constant 13 : i32
      %eq3A_428 = vector.broadcast %eq3A_427 : i32 to vector<16xi32>
      %eq3A_429 = arith.cmpi eq, %iota3A, %eq3A_428 : vector<16xi32>
      %jit3A_430 = arith.constant 0 : i32
      %broadcast_in_dim3A_431 = vector.broadcast %jit3A_430 : i32 to vector<16xi32>
      %select_n3A_432 = arith.select %eq3A_429, %get3A_43, %broadcast_in_dim3A_431 : vector<16xi1>, vector<16xi32>
      %reduce_sum3A_433 = arith.constant true
      %reduce_sum3A_434 = vector.broadcast %reduce_sum3A_433 : i1 to vector<16xi1>
      %reduce_sum3A_435 = tpu.scan <sum>, %select_n3A_432 masked %reduce_sum3A_434 : vector<16xi32>, vector<16xi1> -> vector<16xi32>
      %reduce_sum3A_436 = vector.extract %reduce_sum3A_435[15] : i32 from vector<16xi32>
      %shift_right_logical3A_437 = arith.constant 3 : i32
      %shift_right_logical3A_438 = arith.shrui %reduce_sum3A_436, %shift_right_logical3A_437 : i32
      %and3A_439 = arith.constant 7 : i32
      %and3A_440 = arith.andi %reduce_sum3A_436, %and3A_439 : i32
      %mul3A_441 = arith.constant 16 : i32
      %mul3A_442 = arith.muli %scan3A_40, %mul3A_441 : i32
      %add3A_443 = arith.constant 13 : i32
      %add3A_444 = arith.addi %mul3A_442, %add3A_443 : i32
      %dma_start3A_445 = arith.constant 0 : i32
      %dma_start3A_446 = tpu.memref_slice %arg9[%add3A_444, %dma_start3A_445] : memref<512x64xf32, #tpu.memory_space<vmem>> -> memref<1x64xf32, #tpu.memory_space<vmem>>
      %dma_start3A_447 = tpu.memref_squeeze %dma_start3A_446 : memref<1x64xf32, #tpu.memory_space<vmem>> -> memref<64xf32, #tpu.memory_space<vmem>>
      %dma_start3A_448 = arith.constant 0 : i32
      %dma_start3A_449 = tpu.memref_slice %arg5[%shift_right_logical3A_438, %and3A_440, %dma_start3A_448] : memref<12500x8x64xf32, #tpu.memory_space<hbm>> -> memref<1x1x64xf32, #tpu.memory_space<hbm>>
      %dma_start3A_450 = tpu.memref_squeeze %dma_start3A_449 : memref<1x1x64xf32, #tpu.memory_space<hbm>> -> memref<64xf32, #tpu.memory_space<hbm>>
      %dma_start3A_451 = arith.constant 0 : i32
      %dma_start3A_452 = tpu.memref_slice %arg9[%add3A_444, %dma_start3A_451] : memref<512x64xf32, #tpu.memory_space<vmem>> -> memref<1x64xf32, #tpu.memory_space<vmem>>
      %dma_start3A_453 = tpu.memref_squeeze %dma_start3A_452 : memref<1x64xf32, #tpu.memory_space<vmem>> -> memref<64xf32, #tpu.memory_space<vmem>>
      %dma_start3A_454 = arith.constant 0 : i32
      %dma_start3A_455 = tpu.memref_slice %arg5[%shift_right_logical3A_438, %and3A_440, %dma_start3A_454] : memref<12500x8x64xf32, #tpu.memory_space<hbm>> -> memref<1x1x64xf32, #tpu.memory_space<hbm>>
      %dma_start3A_456 = tpu.memref_squeeze %dma_start3A_455 : memref<1x1x64xf32, #tpu.memory_space<hbm>> -> memref<64xf32, #tpu.memory_space<hbm>>
      tpu.enqueue_dma source(%dma_start3A_456 : memref<64xf32, #tpu.memory_space<hbm>>) target(%dma_start3A_453 : memref<64xf32, #tpu.memory_space<vmem>>) target_semaphore(%arg10 : memref<!tpu.dma_semaphore, #tpu.memory_space<semaphore_mem>>)
      %eq3A_457 = arith.constant 14 : i32
      %eq3A_458 = vector.broadcast %eq3A_457 : i32 to vector<16xi32>
      %eq3A_459 = arith.cmpi eq, %iota3A, %eq3A_458 : vector<16xi32>
      %jit3A_460 = arith.constant 0 : i32
      %broadcast_in_dim3A_461 = vector.broadcast %jit3A_460 : i32 to vector<16xi32>
      %select_n3A_462 = arith.select %eq3A_459, %get3A_43, %broadcast_in_dim3A_461 : vector<16xi1>, vector<16xi32>
      %reduce_sum3A_463 = arith.constant true
      %reduce_sum3A_464 = vector.broadcast %reduce_sum3A_463 : i1 to vector<16xi1>
      %reduce_sum3A_465 = tpu.scan <sum>, %select_n3A_462 masked %reduce_sum3A_464 : vector<16xi32>, vector<16xi1> -> vector<16xi32>
      %reduce_sum3A_466 = vector.extract %reduce_sum3A_465[15] : i32 from vector<16xi32>
      %shift_right_logical3A_467 = arith.constant 3 : i32
      %shift_right_logical3A_468 = arith.shrui %reduce_sum3A_466, %shift_right_logical3A_467 : i32
      %and3A_469 = arith.constant 7 : i32
      %and3A_470 = arith.andi %reduce_sum3A_466, %and3A_469 : i32
      %mul3A_471 = arith.constant 16 : i32
      %mul3A_472 = arith.muli %scan3A_40, %mul3A_471 : i32
      %add3A_473 = arith.constant 14 : i32
      %add3A_474 = arith.addi %mul3A_472, %add3A_473 : i32
      %dma_start3A_475 = arith.constant 0 : i32
      %dma_start3A_476 = tpu.memref_slice %arg9[%add3A_474, %dma_start3A_475] : memref<512x64xf32, #tpu.memory_space<vmem>> -> memref<1x64xf32, #tpu.memory_space<vmem>>
      %dma_start3A_477 = tpu.memref_squeeze %dma_start3A_476 : memref<1x64xf32, #tpu.memory_space<vmem>> -> memref<64xf32, #tpu.memory_space<vmem>>
      %dma_start3A_478 = arith.constant 0 : i32
      %dma_start3A_479 = tpu.memref_slice %arg5[%shift_right_logical3A_468, %and3A_470, %dma_start3A_478] : memref<12500x8x64xf32, #tpu.memory_space<hbm>> -> memref<1x1x64xf32, #tpu.memory_space<hbm>>
      %dma_start3A_480 = tpu.memref_squeeze %dma_start3A_479 : memref<1x1x64xf32, #tpu.memory_space<hbm>> -> memref<64xf32, #tpu.memory_space<hbm>>
      %dma_start3A_481 = arith.constant 0 : i32
      %dma_start3A_482 = tpu.memref_slice %arg9[%add3A_474, %dma_start3A_481] : memref<512x64xf32, #tpu.memory_space<vmem>> -> memref<1x64xf32, #tpu.memory_space<vmem>>
      %dma_start3A_483 = tpu.memref_squeeze %dma_start3A_482 : memref<1x64xf32, #tpu.memory_space<vmem>> -> memref<64xf32, #tpu.memory_space<vmem>>
      %dma_start3A_484 = arith.constant 0 : i32
      %dma_start3A_485 = tpu.memref_slice %arg5[%shift_right_logical3A_468, %and3A_470, %dma_start3A_484] : memref<12500x8x64xf32, #tpu.memory_space<hbm>> -> memref<1x1x64xf32, #tpu.memory_space<hbm>>
      %dma_start3A_486 = tpu.memref_squeeze %dma_start3A_485 : memref<1x1x64xf32, #tpu.memory_space<hbm>> -> memref<64xf32, #tpu.memory_space<hbm>>
      tpu.enqueue_dma source(%dma_start3A_486 : memref<64xf32, #tpu.memory_space<hbm>>) target(%dma_start3A_483 : memref<64xf32, #tpu.memory_space<vmem>>) target_semaphore(%arg10 : memref<!tpu.dma_semaphore, #tpu.memory_space<semaphore_mem>>)
      %eq3A_487 = arith.constant 15 : i32
      %eq3A_488 = vector.broadcast %eq3A_487 : i32 to vector<16xi32>
      %eq3A_489 = arith.cmpi eq, %iota3A, %eq3A_488 : vector<16xi32>
      %jit3A_490 = arith.constant 0 : i32
      %broadcast_in_dim3A_491 = vector.broadcast %jit3A_490 : i32 to vector<16xi32>
      %select_n3A_492 = arith.select %eq3A_489, %get3A_43, %broadcast_in_dim3A_491 : vector<16xi1>, vector<16xi32>
      %reduce_sum3A_493 = arith.constant true
      %reduce_sum3A_494 = vector.broadcast %reduce_sum3A_493 : i1 to vector<16xi1>
      %reduce_sum3A_495 = tpu.scan <sum>, %select_n3A_492 masked %reduce_sum3A_494 : vector<16xi32>, vector<16xi1> -> vector<16xi32>
      %reduce_sum3A_496 = vector.extract %reduce_sum3A_495[15] : i32 from vector<16xi32>
      %shift_right_logical3A_497 = arith.constant 3 : i32
      %shift_right_logical3A_498 = arith.shrui %reduce_sum3A_496, %shift_right_logical3A_497 : i32
      %and3A_499 = arith.constant 7 : i32
      %and3A_500 = arith.andi %reduce_sum3A_496, %and3A_499 : i32
      %mul3A_501 = arith.constant 16 : i32
      %mul3A_502 = arith.muli %scan3A_40, %mul3A_501 : i32
      %add3A_503 = arith.constant 15 : i32
      %add3A_504 = arith.addi %mul3A_502, %add3A_503 : i32
      %dma_start3A_505 = arith.constant 0 : i32
      %dma_start3A_506 = tpu.memref_slice %arg9[%add3A_504, %dma_start3A_505] : memref<512x64xf32, #tpu.memory_space<vmem>> -> memref<1x64xf32, #tpu.memory_space<vmem>>
      %dma_start3A_507 = tpu.memref_squeeze %dma_start3A_506 : memref<1x64xf32, #tpu.memory_space<vmem>> -> memref<64xf32, #tpu.memory_space<vmem>>
      %dma_start3A_508 = arith.constant 0 : i32
      %dma_start3A_509 = tpu.memref_slice %arg5[%shift_right_logical3A_498, %and3A_500, %dma_start3A_508] : memref<12500x8x64xf32, #tpu.memory_space<hbm>> -> memref<1x1x64xf32, #tpu.memory_space<hbm>>
      %dma_start3A_510 = tpu.memref_squeeze %dma_start3A_509 : memref<1x1x64xf32, #tpu.memory_space<hbm>> -> memref<64xf32, #tpu.memory_space<hbm>>
      %dma_start3A_511 = arith.constant 0 : i32
      %dma_start3A_512 = tpu.memref_slice %arg9[%add3A_504, %dma_start3A_511] : memref<512x64xf32, #tpu.memory_space<vmem>> -> memref<1x64xf32, #tpu.memory_space<vmem>>
      %dma_start3A_513 = tpu.memref_squeeze %dma_start3A_512 : memref<1x64xf32, #tpu.memory_space<vmem>> -> memref<64xf32, #tpu.memory_space<vmem>>
      %dma_start3A_514 = arith.constant 0 : i32
      %dma_start3A_515 = tpu.memref_slice %arg5[%shift_right_logical3A_498, %and3A_500, %dma_start3A_514] : memref<12500x8x64xf32, #tpu.memory_space<hbm>> -> memref<1x1x64xf32, #tpu.memory_space<hbm>>
      %dma_start3A_516 = tpu.memref_squeeze %dma_start3A_515 : memref<1x1x64xf32, #tpu.memory_space<hbm>> -> memref<64xf32, #tpu.memory_space<hbm>>
      tpu.enqueue_dma source(%dma_start3A_516 : memref<64xf32, #tpu.memory_space<hbm>>) target(%dma_start3A_513 : memref<64xf32, #tpu.memory_space<vmem>>) target_semaphore(%arg10 : memref<!tpu.dma_semaphore, #tpu.memory_space<semaphore_mem>>)
    }
    %scan3A_25 = arith.constant 32 : i32
    %scan3A_26 = arith.constant 0 : i32
    %scan3A_27 = arith.constant 0 : i32
    %scan3A_28 = arith.constant 512 : i32
    %scan3A_29 = arith.addi %scan3A_27, %scan3A_28 : i32
    %scan3A_30 = arith.constant 1 : i32
    scf.for %scan3A_40 = %scan3A_27 to %scan3A_29 step %scan3A_30  : i32 {
      %dma_wait3A_41 = arith.constant 0 : i32
      %dma_wait3A_42 = arith.constant 0 : i32
      %dma_wait3A_43 = arith.constant 0 : i32
      %dma_wait3A_44 = arith.constant 0 : i32
      %dma_wait3A_45 = tpu.memref_slice %arg9[%dma_wait3A_43, %dma_wait3A_44] : memref<512x64xf32, #tpu.memory_space<vmem>> -> memref<1x64xf32, #tpu.memory_space<vmem>>
      %dma_wait3A_46 = tpu.memref_squeeze %dma_wait3A_45 : memref<1x64xf32, #tpu.memory_space<vmem>> -> memref<64xf32, #tpu.memory_space<vmem>>
      %dma_wait3A_47 = arith.constant 0 : i32
      %dma_wait3A_48 = tpu.memref_slice %arg5[%dma_wait3A_41, %dma_wait3A_42, %dma_wait3A_47] : memref<12500x8x64xf32, #tpu.memory_space<hbm>> -> memref<1x1x64xf32, #tpu.memory_space<hbm>>
      %dma_wait3A_49 = tpu.memref_squeeze %dma_wait3A_48 : memref<1x1x64xf32, #tpu.memory_space<hbm>> -> memref<64xf32, #tpu.memory_space<hbm>>
      %dma_wait3A_50 = arith.constant 0 : i32
      %dma_wait3A_51 = tpu.memref_slice %arg9[%dma_wait3A_43, %dma_wait3A_50] : memref<512x64xf32, #tpu.memory_space<vmem>> -> memref<1x64xf32, #tpu.memory_space<vmem>>
      %dma_wait3A_52 = tpu.memref_squeeze %dma_wait3A_51 : memref<1x64xf32, #tpu.memory_space<vmem>> -> memref<64xf32, #tpu.memory_space<vmem>>
      %dma_wait3A_53 = arith.constant 0 : i32
      %dma_wait3A_54 = tpu.memref_slice %arg5[%dma_wait3A_41, %dma_wait3A_42, %dma_wait3A_53] : memref<12500x8x64xf32, #tpu.memory_space<hbm>> -> memref<1x1x64xf32, #tpu.memory_space<hbm>>
      %dma_wait3A_55 = tpu.memref_squeeze %dma_wait3A_54 : memref<1x1x64xf32, #tpu.memory_space<hbm>> -> memref<64xf32, #tpu.memory_space<hbm>>
      tpu.wait_dma2 semaphore(%arg10 : memref<!tpu.dma_semaphore, #tpu.memory_space<semaphore_mem>>) src(%dma_wait3A_55 : memref<64xf32, #tpu.memory_space<hbm>>) dst(%dma_wait3A_52 : memref<64xf32, #tpu.memory_space<vmem>>)
    }
    %scan3A_31 = arith.constant 512 : i32
    %dma_start3A_32 = arith.constant 0 : i32
    %dma_start3A_33 = tpu.memref_slice %arg7[%mul3A_2, %dma_start3A_32] : memref<16384x64xf32, #tpu.memory_space<hbm>> -> memref<512x64xf32, #tpu.memory_space<hbm>>
    %dma_start3A_34 = arith.constant 0 : i32
    %dma_start3A_35 = tpu.memref_slice %arg7[%mul3A_2, %dma_start3A_34] : memref<16384x64xf32, #tpu.memory_space<hbm>> -> memref<512x64xf32, #tpu.memory_space<hbm>>
    tpu.enqueue_dma source(%arg9 : memref<512x64xf32, #tpu.memory_space<vmem>>) target(%dma_start3A_35 : memref<512x64xf32, #tpu.memory_space<hbm>>) target_semaphore(%arg12 : memref<!tpu.dma_semaphore, #tpu.memory_space<semaphore_mem>>)
    %dma_wait3A_36 = arith.constant 0 : i32
    %dma_wait3A_37 = tpu.memref_slice %arg7[%mul3A_2, %dma_wait3A_36] : memref<16384x64xf32, #tpu.memory_space<hbm>> -> memref<512x64xf32, #tpu.memory_space<hbm>>
    %dma_wait3A_38 = arith.constant 0 : i32
    %dma_wait3A_39 = tpu.memref_slice %arg7[%mul3A_2, %dma_wait3A_38] : memref<16384x64xf32, #tpu.memory_space<hbm>> -> memref<512x64xf32, #tpu.memory_space<hbm>>
    tpu.wait_dma2 semaphore(%arg12 : memref<!tpu.dma_semaphore, #tpu.memory_space<semaphore_mem>>) src(%arg9 : memref<512x64xf32, #tpu.memory_space<vmem>>) dst(%dma_wait3A_39 : memref<512x64xf32, #tpu.memory_space<hbm>>)
    return
  }
}

module attributes {stable_mosaic.version = 14 : i64} {
  func.func @_proj_body(%arg0: i32, %arg1: memref<32x4096xf32, #tpu.memory_space<vmem>>, %arg2: memref<16x4096xf32, #tpu.memory_space<vmem>>, %arg3: memref<8x4096xf32, #tpu.memory_space<vmem>>, %arg4: memref<32x64xf32, #tpu.memory_space<vmem>>, %arg5: memref<1x64xf32, #tpu.memory_space<vmem>>, %arg6: memref<16x64xf32, #tpu.memory_space<vmem>>, %arg7: memref<1x64xf32, #tpu.memory_space<vmem>>, %arg8: memref<8x64xf32, #tpu.memory_space<vmem>>, %arg9: memref<1x64xf32, #tpu.memory_space<vmem>>, %arg10: memref<64x256xf32, #tpu.memory_space<vmem>>, %arg11: memref<64x256xf32, #tpu.memory_space<vmem>>, %arg12: memref<64x256xf32, #tpu.memory_space<vmem>>, %arg13: memref<1x256xf32, #tpu.memory_space<vmem>>, %arg14: memref<4096x256xf32, #tpu.memory_space<vmem>>) attributes {dimension_semantics = [#tpu.dimension_semantics<arbitrary>], iteration_bounds = array<i64: 4>, scalar_prefetch = 0 : i64, scratch_operands = 0 : i64, tpu.core_type = #tpu.core_type<tc>, window_params = [{transform_indices = @transform_0, window_bounds = array<i64: 32, 4096>}, {transform_indices = @transform_1, window_bounds = array<i64: 16, 4096>}, {transform_indices = @transform_2, window_bounds = array<i64: 8, 4096>}, {pipeline_mode = #tpu.pipeline_mode<synchronous>, transform_indices = @transform_3, window_bounds = array<i64: 32, 64>}, {pipeline_mode = #tpu.pipeline_mode<synchronous>, transform_indices = @transform_4, window_bounds = array<i64: 1, 64>}, {pipeline_mode = #tpu.pipeline_mode<synchronous>, transform_indices = @transform_5, window_bounds = array<i64: 16, 64>}, {pipeline_mode = #tpu.pipeline_mode<synchronous>, transform_indices = @transform_6, window_bounds = array<i64: 1, 64>}, {pipeline_mode = #tpu.pipeline_mode<synchronous>, transform_indices = @transform_7, window_bounds = array<i64: 8, 64>}, {pipeline_mode = #tpu.pipeline_mode<synchronous>, transform_indices = @transform_8, window_bounds = array<i64: 1, 64>}, {pipeline_mode = #tpu.pipeline_mode<synchronous>, transform_indices = @transform_9, window_bounds = array<i64: 64, 256>}, {pipeline_mode = #tpu.pipeline_mode<synchronous>, transform_indices = @transform_10, window_bounds = array<i64: 64, 256>}, {pipeline_mode = #tpu.pipeline_mode<synchronous>, transform_indices = @transform_11, window_bounds = array<i64: 64, 256>}, {pipeline_mode = #tpu.pipeline_mode<synchronous>, transform_indices = @transform_12, window_bounds = array<i64: 1, 256>}, {transform_indices = @transform_13, window_bounds = array<i64: 4096, 256>}]} {
    %get3A = arith.constant 0 : index
    %get3A_0 = arith.constant 0 : index
    %get3A_1 = vector.load %arg1[%get3A, %get3A_0] : memref<32x4096xf32, #tpu.memory_space<vmem>>, vector<32x4096xf32>
    %get3A_2 = arith.constant 0 : index
    %get3A_3 = arith.constant 0 : index
    %get3A_4 = vector.load %arg4[%get3A_2, %get3A_3] : memref<32x64xf32, #tpu.memory_space<vmem>>, vector<32x64xf32>
    %dot_general3A = arith.constant dense<0.000000e+00> : vector<4096x64xf32>
    %dot_general3A_5 = tpu.matmul %get3A_1, %get3A_4, %dot_general3A {dimension_numbers = #tpu.dot_dimension_numbers<[0], [0], [1], [1], [0, 1, 1, 1], [], []>, transpose_lhs_hint = false} : vector<32x4096xf32>, vector<32x64xf32>, vector<4096x64xf32> -> vector<4096x64xf32>
    %get3A_6 = arith.constant 0 : index
    %get3A_7 = arith.constant 0 : index
    %get3A_8 = vector.load %arg5[%get3A_6, %get3A_7] : memref<1x64xf32, #tpu.memory_space<vmem>>, vector<1x64xf32>
    %add3A = vector.broadcast %get3A_8 : vector<1x64xf32> to vector<4096x64xf32>
    %add3A_9 = arith.addf %dot_general3A_5, %add3A : vector<4096x64xf32>
    %max3A = arith.constant 0.000000e+00 : f32
    %max3A_10 = vector.broadcast %max3A : f32 to vector<4096x64xf32>
    %max3A_11 = arith.maximumf %add3A_9, %max3A_10 : vector<4096x64xf32>
    %get3A_12 = arith.constant 0 : index
    %get3A_13 = arith.constant 0 : index
    %get3A_14 = vector.load %arg2[%get3A_12, %get3A_13] : memref<16x4096xf32, #tpu.memory_space<vmem>>, vector<16x4096xf32>
    %get3A_15 = arith.constant 0 : index
    %get3A_16 = arith.constant 0 : index
    %get3A_17 = vector.load %arg6[%get3A_15, %get3A_16] : memref<16x64xf32, #tpu.memory_space<vmem>>, vector<16x64xf32>
    %dot_general3A_18 = arith.constant dense<0.000000e+00> : vector<4096x64xf32>
    %dot_general3A_19 = tpu.matmul %get3A_14, %get3A_17, %dot_general3A_18 {dimension_numbers = #tpu.dot_dimension_numbers<[0], [0], [1], [1], [0, 1, 1, 1], [], []>, transpose_lhs_hint = false} : vector<16x4096xf32>, vector<16x64xf32>, vector<4096x64xf32> -> vector<4096x64xf32>
    %get3A_20 = arith.constant 0 : index
    %get3A_21 = arith.constant 0 : index
    %get3A_22 = vector.load %arg7[%get3A_20, %get3A_21] : memref<1x64xf32, #tpu.memory_space<vmem>>, vector<1x64xf32>
    %add3A_23 = vector.broadcast %get3A_22 : vector<1x64xf32> to vector<4096x64xf32>
    %add3A_24 = arith.addf %dot_general3A_19, %add3A_23 : vector<4096x64xf32>
    %max3A_25 = arith.constant 0.000000e+00 : f32
    %max3A_26 = vector.broadcast %max3A_25 : f32 to vector<4096x64xf32>
    %max3A_27 = arith.maximumf %add3A_24, %max3A_26 : vector<4096x64xf32>
    %get3A_28 = arith.constant 0 : index
    %get3A_29 = arith.constant 0 : index
    %get3A_30 = vector.load %arg3[%get3A_28, %get3A_29] : memref<8x4096xf32, #tpu.memory_space<vmem>>, vector<8x4096xf32>
    %get3A_31 = arith.constant 0 : index
    %get3A_32 = arith.constant 0 : index
    %get3A_33 = vector.load %arg8[%get3A_31, %get3A_32] : memref<8x64xf32, #tpu.memory_space<vmem>>, vector<8x64xf32>
    %dot_general3A_34 = arith.constant dense<0.000000e+00> : vector<4096x64xf32>
    %dot_general3A_35 = tpu.matmul %get3A_30, %get3A_33, %dot_general3A_34 {dimension_numbers = #tpu.dot_dimension_numbers<[0], [0], [1], [1], [0, 1, 1, 1], [], []>, transpose_lhs_hint = false} : vector<8x4096xf32>, vector<8x64xf32>, vector<4096x64xf32> -> vector<4096x64xf32>
    %get3A_36 = arith.constant 0 : index
    %get3A_37 = arith.constant 0 : index
    %get3A_38 = vector.load %arg9[%get3A_36, %get3A_37] : memref<1x64xf32, #tpu.memory_space<vmem>>, vector<1x64xf32>
    %add3A_39 = vector.broadcast %get3A_38 : vector<1x64xf32> to vector<4096x64xf32>
    %add3A_40 = arith.addf %dot_general3A_35, %add3A_39 : vector<4096x64xf32>
    %max3A_41 = arith.constant 0.000000e+00 : f32
    %max3A_42 = vector.broadcast %max3A_41 : f32 to vector<4096x64xf32>
    %max3A_43 = arith.maximumf %add3A_40, %max3A_42 : vector<4096x64xf32>
    %get3A_44 = arith.constant 0 : index
    %get3A_45 = arith.constant 0 : index
    %get3A_46 = vector.load %arg10[%get3A_44, %get3A_45] : memref<64x256xf32, #tpu.memory_space<vmem>>, vector<64x256xf32>
    %dot_general3A_47 = arith.constant dense<0.000000e+00> : vector<4096x256xf32>
    %dot_general3A_48 = tpu.matmul %max3A_11, %get3A_46, %dot_general3A_47 {dimension_numbers = #tpu.dot_dimension_numbers<[1], [0], [0], [1], [0, 0, 1, 1], [], []>, transpose_lhs_hint = false} : vector<4096x64xf32>, vector<64x256xf32>, vector<4096x256xf32> -> vector<4096x256xf32>
    %get3A_49 = arith.constant 0 : index
    %get3A_50 = arith.constant 0 : index
    %get3A_51 = vector.load %arg11[%get3A_49, %get3A_50] : memref<64x256xf32, #tpu.memory_space<vmem>>, vector<64x256xf32>
    %dot_general3A_52 = arith.constant dense<0.000000e+00> : vector<4096x256xf32>
    %dot_general3A_53 = tpu.matmul %max3A_27, %get3A_51, %dot_general3A_52 {dimension_numbers = #tpu.dot_dimension_numbers<[1], [0], [0], [1], [0, 0, 1, 1], [], []>, transpose_lhs_hint = false} : vector<4096x64xf32>, vector<64x256xf32>, vector<4096x256xf32> -> vector<4096x256xf32>
    %add3A_54 = arith.addf %dot_general3A_48, %dot_general3A_53 : vector<4096x256xf32>
    %get3A_55 = arith.constant 0 : index
    %get3A_56 = arith.constant 0 : index
    %get3A_57 = vector.load %arg12[%get3A_55, %get3A_56] : memref<64x256xf32, #tpu.memory_space<vmem>>, vector<64x256xf32>
    %dot_general3A_58 = arith.constant dense<0.000000e+00> : vector<4096x256xf32>
    %dot_general3A_59 = tpu.matmul %max3A_43, %get3A_57, %dot_general3A_58 {dimension_numbers = #tpu.dot_dimension_numbers<[1], [0], [0], [1], [0, 0, 1, 1], [], []>, transpose_lhs_hint = false} : vector<4096x64xf32>, vector<64x256xf32>, vector<4096x256xf32> -> vector<4096x256xf32>
    %add3A_60 = arith.addf %add3A_54, %dot_general3A_59 : vector<4096x256xf32>
    %get3A_61 = arith.constant 0 : index
    %get3A_62 = arith.constant 0 : index
    %get3A_63 = vector.load %arg13[%get3A_61, %get3A_62] : memref<1x256xf32, #tpu.memory_space<vmem>>, vector<1x256xf32>
    %add3A_64 = vector.broadcast %get3A_63 : vector<1x256xf32> to vector<4096x256xf32>
    %add3A_65 = arith.addf %add3A_60, %add3A_64 : vector<4096x256xf32>
    %swap3A = arith.constant 0 : index
    %swap3A_66 = arith.constant 0 : index
    %swap3A_67 = vector.load %arg14[%swap3A, %swap3A_66] : memref<4096x256xf32, #tpu.memory_space<vmem>>, vector<4096x256xf32>
    tpu.vector_store %arg14[%swap3A, %swap3A_66], %add3A_65 {strides = array<i32>} : memref<4096x256xf32, #tpu.memory_space<vmem>>, vector<4096x256xf32>,
    return
  }
  func.func @transform_0(%arg0: i32) -> (i32, i32) {
    %c0_i32 = arith.constant 0 : i32
    %c0_i32_0 = arith.constant 0 : i32
    return %c0_i32, %arg0 : i32, i32
  }
  func.func @transform_1(%arg0: i32) -> (i32, i32) {
    %c0_i32 = arith.constant 0 : i32
    %c0_i32_0 = arith.constant 0 : i32
    return %c0_i32, %arg0 : i32, i32
  }
  func.func @transform_2(%arg0: i32) -> (i32, i32) {
    %c0_i32 = arith.constant 0 : i32
    %c0_i32_0 = arith.constant 0 : i32
    return %c0_i32, %arg0 : i32, i32
  }
  func.func @transform_3(%arg0: i32) -> (i32, i32) {
    %c0_i32 = arith.constant 0 : i32
    %c0_i32_0 = arith.constant 0 : i32
    %c0_i32_1 = arith.constant 0 : i32
    return %c0_i32, %c0_i32_0 : i32, i32
  }
  func.func @transform_4(%arg0: i32) -> (i32, i32) {
    %c0_i32 = arith.constant 0 : i32
    %c0_i32_0 = arith.constant 0 : i32
    %c0_i32_1 = arith.constant 0 : i32
    return %c0_i32, %c0_i32_0 : i32, i32
  }
  func.func @transform_5(%arg0: i32) -> (i32, i32) {
    %c0_i32 = arith.constant 0 : i32
    %c0_i32_0 = arith.constant 0 : i32
    %c0_i32_1 = arith.constant 0 : i32
    return %c0_i32, %c0_i32_0 : i32, i32
  }
  func.func @transform_6(%arg0: i32) -> (i32, i32) {
    %c0_i32 = arith.constant 0 : i32
    %c0_i32_0 = arith.constant 0 : i32
    %c0_i32_1 = arith.constant 0 : i32
    return %c0_i32, %c0_i32_0 : i32, i32
  }
  func.func @transform_7(%arg0: i32) -> (i32, i32) {
    %c0_i32 = arith.constant 0 : i32
    %c0_i32_0 = arith.constant 0 : i32
    %c0_i32_1 = arith.constant 0 : i32
    return %c0_i32, %c0_i32_0 : i32, i32
  }
  func.func @transform_8(%arg0: i32) -> (i32, i32) {
    %c0_i32 = arith.constant 0 : i32
    %c0_i32_0 = arith.constant 0 : i32
    %c0_i32_1 = arith.constant 0 : i32
    return %c0_i32, %c0_i32_0 : i32, i32
  }
  func.func @transform_9(%arg0: i32) -> (i32, i32) {
    %c0_i32 = arith.constant 0 : i32
    %c0_i32_0 = arith.constant 0 : i32
    %c0_i32_1 = arith.constant 0 : i32
    return %c0_i32, %c0_i32_0 : i32, i32
  }
  func.func @transform_10(%arg0: i32) -> (i32, i32) {
    %c0_i32 = arith.constant 0 : i32
    %c0_i32_0 = arith.constant 0 : i32
    %c0_i32_1 = arith.constant 0 : i32
    return %c0_i32, %c0_i32_0 : i32, i32
  }
  func.func @transform_11(%arg0: i32) -> (i32, i32) {
    %c0_i32 = arith.constant 0 : i32
    %c0_i32_0 = arith.constant 0 : i32
    %c0_i32_1 = arith.constant 0 : i32
    return %c0_i32, %c0_i32_0 : i32, i32
  }
  func.func @transform_12(%arg0: i32) -> (i32, i32) {
    %c0_i32 = arith.constant 0 : i32
    %c0_i32_0 = arith.constant 0 : i32
    %c0_i32_1 = arith.constant 0 : i32
    return %c0_i32, %c0_i32_0 : i32, i32
  }
  func.func @transform_13(%arg0: i32) -> (i32, i32) {
    %c0_i32 = arith.constant 0 : i32
    %c0_i32_0 = arith.constant 0 : i32
    return %arg0, %c0_i32 : i32, i32
  }
}

module attributes {stable_mosaic.version = 14 : i64} {
  func.func @_fused_body(%arg0: i32, %arg1: i32, %arg2: memref<4096x64xf32, #tpu.memory_space<vmem>>, %arg3: memref<4096x64xf32, #tpu.memory_space<vmem>>, %arg4: memref<4096x256xf32, #tpu.memory_space<vmem>>, %arg5: memref<64x256xf32, #tpu.memory_space<vmem>>, %arg6: memref<64x256xf32, #tpu.memory_space<vmem>>, %arg7: memref<1x256xf32, #tpu.memory_space<vmem>>, %arg8: memref<1x256xf32, #tpu.memory_space<vmem>>, %arg9: memref<256x128xf32, #tpu.memory_space<vmem>>, %arg10: memref<1x128xf32, #tpu.memory_space<vmem>>, %arg11: memref<1x128xf32, #tpu.memory_space<vmem>>, %arg12: memref<1x128xf32, #tpu.memory_space<vmem>>, %arg13: memref<4096x128xf32, #tpu.memory_space<vmem>>, %arg14: memref<16384x256xf32, #tpu.memory_space<vmem>>, %arg15: memref<16384x128xf32, #tpu.memory_space<vmem>>, %arg16: memref<1x256xf32, #tpu.memory_space<vmem>>, %arg17: memref<1x256xf32, #tpu.memory_space<vmem>>, %arg18: memref<1x128xf32, #tpu.memory_space<vmem>>, %arg19: memref<1x128xf32, #tpu.memory_space<vmem>>) attributes {dimension_semantics = [#tpu.dimension_semantics<arbitrary>, #tpu.dimension_semantics<arbitrary>], iteration_bounds = array<i64: 3, 4>, scalar_prefetch = 0 : i64, scratch_operands = 6 : i64, tpu.core_type = #tpu.core_type<tc>, window_params = [{transform_indices = @transform_0, window_bounds = array<i64: 4096, 64>}, {transform_indices = @transform_1, window_bounds = array<i64: 4096, 64>}, {transform_indices = @transform_2, window_bounds = array<i64: 4096, 256>}, {pipeline_mode = #tpu.pipeline_mode<synchronous>, transform_indices = @transform_3, window_bounds = array<i64: 64, 256>}, {pipeline_mode = #tpu.pipeline_mode<synchronous>, transform_indices = @transform_4, window_bounds = array<i64: 64, 256>}, {pipeline_mode = #tpu.pipeline_mode<synchronous>, transform_indices = @transform_5, window_bounds = array<i64: 1, 256>}, {pipeline_mode = #tpu.pipeline_mode<synchronous>, transform_indices = @transform_6, window_bounds = array<i64: 1, 256>}, {pipeline_mode = #tpu.pipeline_mode<synchronous>, transform_indices = @transform_7, window_bounds = array<i64: 256, 128>}, {pipeline_mode = #tpu.pipeline_mode<synchronous>, transform_indices = @transform_8, window_bounds = array<i64: 1, 128>}, {pipeline_mode = #tpu.pipeline_mode<synchronous>, transform_indices = @transform_9, window_bounds = array<i64: 1, 128>}, {pipeline_mode = #tpu.pipeline_mode<synchronous>, transform_indices = @transform_10, window_bounds = array<i64: 1, 128>}, {transform_indices = @transform_11, window_bounds = array<i64: 4096, 128>}]} {
    %mul3A = arith.constant 4096 : i32
    %mul3A_0 = arith.muli %arg1, %mul3A : i32
    %eq3A = arith.constant 0 : i32
    %eq3A_1 = arith.cmpi eq, %arg0, %eq3A : i32
    %eq3A_2 = arith.constant 0 : i32
    %eq3A_3 = arith.cmpi eq, %arg1, %eq3A_2 : i32
    %and3A = arith.andi %eq3A_1, %eq3A_3 : i1
    %convert_element_type3A = arith.extui %and3A : i1 to i32
    %cond3A = arith.constant 0 : i32
    %cond3A_4 = arith.cmpi ne, %convert_element_type3A, %cond3A : i32
    scf.if %cond3A_4 {
      %broadcast_in_dim3A = arith.constant 0.000000e+00 : f32
      %broadcast_in_dim3A_20 = vector.broadcast %broadcast_in_dim3A : f32 to vector<1x256xf32>
      %swap3A = arith.constant 0 : index
      %swap3A_21 = arith.constant 0 : index
      %swap3A_22 = vector.load %arg16[%swap3A, %swap3A_21] : memref<1x256xf32, #tpu.memory_space<vmem>>, vector<1x256xf32>
      tpu.vector_store %arg16[%swap3A, %swap3A_21], %broadcast_in_dim3A_20 {strides = array<i32>} : memref<1x256xf32, #tpu.memory_space<vmem>>, vector<1x256xf32>,
      %broadcast_in_dim3A_23 = arith.constant 0.000000e+00 : f32
      %broadcast_in_dim3A_24 = vector.broadcast %broadcast_in_dim3A_23 : f32 to vector<1x256xf32>
      %swap3A_25 = arith.constant 0 : index
      %swap3A_26 = arith.constant 0 : index
      %swap3A_27 = vector.load %arg17[%swap3A_25, %swap3A_26] : memref<1x256xf32, #tpu.memory_space<vmem>>, vector<1x256xf32>
      tpu.vector_store %arg17[%swap3A_25, %swap3A_26], %broadcast_in_dim3A_24 {strides = array<i32>} : memref<1x256xf32, #tpu.memory_space<vmem>>, vector<1x256xf32>,
      %broadcast_in_dim3A_28 = arith.constant 0.000000e+00 : f32
      %broadcast_in_dim3A_29 = vector.broadcast %broadcast_in_dim3A_28 : f32 to vector<1x128xf32>
      %swap3A_30 = arith.constant 0 : index
      %swap3A_31 = arith.constant 0 : index
      %swap3A_32 = vector.load %arg18[%swap3A_30, %swap3A_31] : memref<1x128xf32, #tpu.memory_space<vmem>>, vector<1x128xf32>
      tpu.vector_store %arg18[%swap3A_30, %swap3A_31], %broadcast_in_dim3A_29 {strides = array<i32>} : memref<1x128xf32, #tpu.memory_space<vmem>>, vector<1x128xf32>,
      %broadcast_in_dim3A_33 = arith.constant 0.000000e+00 : f32
      %broadcast_in_dim3A_34 = vector.broadcast %broadcast_in_dim3A_33 : f32 to vector<1x128xf32>
      %swap3A_35 = arith.constant 0 : index
      %swap3A_36 = arith.constant 0 : index
      %swap3A_37 = vector.load %arg19[%swap3A_35, %swap3A_36] : memref<1x128xf32, #tpu.memory_space<vmem>>, vector<1x128xf32>
      tpu.vector_store %arg19[%swap3A_35, %swap3A_36], %broadcast_in_dim3A_34 {strides = array<i32>} : memref<1x128xf32, #tpu.memory_space<vmem>>, vector<1x128xf32>,
    } else {
    }
    %eq3A_5 = arith.constant 0 : i32
    %eq3A_6 = arith.cmpi eq, %arg0, %eq3A_5 : i32
    %convert_element_type3A_7 = arith.extui %eq3A_6 : i1 to i32
    %cond3A_8 = arith.constant 0 : i32
    %cond3A_9 = arith.cmpi ne, %convert_element_type3A_7, %cond3A_8 : i32
    scf.if %cond3A_9 {
      %get3A = arith.constant 0 : index
      %get3A_20 = arith.constant 0 : index
      %get3A_21 = vector.load %arg4[%get3A, %get3A_20] : memref<4096x256xf32, #tpu.memory_space<vmem>>, vector<4096x256xf32>
      %get3A_22 = arith.constant 0 : index
      %get3A_23 = arith.constant 0 : index
      %get3A_24 = vector.load %arg2[%get3A_22, %get3A_23] : memref<4096x64xf32, #tpu.memory_space<vmem>>, vector<4096x64xf32>
      %get3A_25 = arith.constant 0 : index
      %get3A_26 = arith.constant 0 : index
      %get3A_27 = vector.load %arg5[%get3A_25, %get3A_26] : memref<64x256xf32, #tpu.memory_space<vmem>>, vector<64x256xf32>
      %dot_general3A = arith.constant dense<0.000000e+00> : vector<4096x256xf32>
      %dot_general3A_28 = tpu.matmul %get3A_24, %get3A_27, %dot_general3A {dimension_numbers = #tpu.dot_dimension_numbers<[1], [0], [0], [1], [0, 0, 1, 1], [], []>, transpose_lhs_hint = false} : vector<4096x64xf32>, vector<64x256xf32>, vector<4096x256xf32> -> vector<4096x256xf32>
      %add3A = arith.addf %get3A_21, %dot_general3A_28 : vector<4096x256xf32>
      %get3A_29 = arith.constant 0 : index
      %get3A_30 = arith.constant 0 : index
      %get3A_31 = vector.load %arg3[%get3A_29, %get3A_30] : memref<4096x64xf32, #tpu.memory_space<vmem>>, vector<4096x64xf32>
      %get3A_32 = arith.constant 0 : index
      %get3A_33 = arith.constant 0 : index
      %get3A_34 = vector.load %arg6[%get3A_32, %get3A_33] : memref<64x256xf32, #tpu.memory_space<vmem>>, vector<64x256xf32>
      %dot_general3A_35 = arith.constant dense<0.000000e+00> : vector<4096x256xf32>
      %dot_general3A_36 = tpu.matmul %get3A_31, %get3A_34, %dot_general3A_35 {dimension_numbers = #tpu.dot_dimension_numbers<[1], [0], [0], [1], [0, 0, 1, 1], [], []>, transpose_lhs_hint = false} : vector<4096x64xf32>, vector<64x256xf32>, vector<4096x256xf32> -> vector<4096x256xf32>
      %add3A_37 = arith.addf %add3A, %dot_general3A_36 : vector<4096x256xf32>
      %swap3A = arith.index_cast %mul3A_0 : i32 to index
      %swap3A_38 = arith.constant 0 : index
      %swap3A_39 = vector.load %arg14[%swap3A, %swap3A_38] : memref<16384x256xf32, #tpu.memory_space<vmem>>, vector<4096x256xf32>
      tpu.vector_store %arg14[%swap3A, %swap3A_38], %add3A_37 {strides = array<i32>} : memref<16384x256xf32, #tpu.memory_space<vmem>>, vector<4096x256xf32>,
      %get3A_40 = arith.constant 0 : index
      %get3A_41 = arith.constant 0 : index
      %get3A_42 = vector.load %arg16[%get3A_40, %get3A_41] : memref<1x256xf32, #tpu.memory_space<vmem>>, vector<1x256xf32>
      %reduce_sum3A = arith.constant dense<0.000000e+00> : vector<256xf32>
      %reduce_sum3A_43 = vector.multi_reduction <add>, %add3A_37, %reduce_sum3A [0] : vector<4096x256xf32> to vector<256xf32>
      %broadcast_in_dim3A = vector.shape_cast %reduce_sum3A_43 : vector<256xf32> to vector<1x256xf32>
      %add3A_44 = arith.addf %get3A_42, %broadcast_in_dim3A : vector<1x256xf32>
      %swap3A_45 = arith.constant 0 : index
      %swap3A_46 = arith.constant 0 : index
      %swap3A_47 = vector.load %arg16[%swap3A_45, %swap3A_46] : memref<1x256xf32, #tpu.memory_space<vmem>>, vector<1x256xf32>
      tpu.vector_store %arg16[%swap3A_45, %swap3A_46], %add3A_44 {strides = array<i32>} : memref<1x256xf32, #tpu.memory_space<vmem>>, vector<1x256xf32>,
      %get3A_48 = arith.constant 0 : index
      %get3A_49 = arith.constant 0 : index
      %get3A_50 = vector.load %arg17[%get3A_48, %get3A_49] : memref<1x256xf32, #tpu.memory_space<vmem>>, vector<1x256xf32>
      %mul3A_51 = arith.mulf %add3A_37, %add3A_37 : vector<4096x256xf32>
      %reduce_sum3A_52 = arith.constant dense<0.000000e+00> : vector<256xf32>
      %reduce_sum3A_53 = vector.multi_reduction <add>, %mul3A_51, %reduce_sum3A_52 [0] : vector<4096x256xf32> to vector<256xf32>
      %broadcast_in_dim3A_54 = vector.shape_cast %reduce_sum3A_53 : vector<256xf32> to vector<1x256xf32>
      %add3A_55 = arith.addf %get3A_50, %broadcast_in_dim3A_54 : vector<1x256xf32>
      %swap3A_56 = arith.constant 0 : index
      %swap3A_57 = arith.constant 0 : index
      %swap3A_58 = vector.load %arg17[%swap3A_56, %swap3A_57] : memref<1x256xf32, #tpu.memory_space<vmem>>, vector<1x256xf32>
      tpu.vector_store %arg17[%swap3A_56, %swap3A_57], %add3A_55 {strides = array<i32>} : memref<1x256xf32, #tpu.memory_space<vmem>>, vector<1x256xf32>,
    } else {
    }
    %eq3A_10 = arith.constant 1 : i32
    %eq3A_11 = arith.cmpi eq, %arg0, %eq3A_10 : i32
    %convert_element_type3A_12 = arith.extui %eq3A_11 : i1 to i32
    %cond3A_13 = arith.constant 0 : i32
    %cond3A_14 = arith.cmpi ne, %convert_element_type3A_12, %cond3A_13 : i32
    scf.if %cond3A_14 {
      %get3A = arith.constant 0 : index
      %get3A_20 = arith.constant 0 : index
      %get3A_21 = vector.load %arg16[%get3A, %get3A_20] : memref<1x256xf32, #tpu.memory_space<vmem>>, vector<1x256xf32>
      %mul3A_22 = arith.constant 6.10351563E-5 : f32
      %mul3A_23 = vector.broadcast %mul3A_22 : f32 to vector<1x256xf32>
      %mul3A_24 = arith.mulf %get3A_21, %mul3A_23 : vector<1x256xf32>
      %get3A_25 = arith.constant 0 : index
      %get3A_26 = arith.constant 0 : index
      %get3A_27 = vector.load %arg17[%get3A_25, %get3A_26] : memref<1x256xf32, #tpu.memory_space<vmem>>, vector<1x256xf32>
      %mul3A_28 = arith.constant 6.10351563E-5 : f32
      %mul3A_29 = vector.broadcast %mul3A_28 : f32 to vector<1x256xf32>
      %mul3A_30 = arith.mulf %get3A_27, %mul3A_29 : vector<1x256xf32>
      %mul3A_31 = arith.mulf %mul3A_24, %mul3A_24 : vector<1x256xf32>
      %sub3A = arith.subf %mul3A_30, %mul3A_31 : vector<1x256xf32>
      %get3A_32 = arith.constant 0 : index
      %get3A_33 = arith.constant 0 : index
      %get3A_34 = vector.load %arg7[%get3A_32, %get3A_33] : memref<1x256xf32, #tpu.memory_space<vmem>>, vector<1x256xf32>
      %add3A = arith.constant 9.99999974E-6 : f32
      %add3A_35 = vector.broadcast %add3A : f32 to vector<1x256xf32>
      %add3A_36 = arith.addf %sub3A, %add3A_35 : vector<1x256xf32>
      %rsqrt3A = math.rsqrt %add3A_36 : vector<1x256xf32>
      %mul3A_37 = arith.mulf %get3A_34, %rsqrt3A : vector<1x256xf32>
      %get3A_38 = arith.index_cast %mul3A_0 : i32 to index
      %get3A_39 = arith.constant 0 : index
      %get3A_40 = vector.load %arg14[%get3A_38, %get3A_39] : memref<16384x256xf32, #tpu.memory_space<vmem>>, vector<4096x256xf32>
      %sub3A_41 = vector.broadcast %mul3A_24 : vector<1x256xf32> to vector<4096x256xf32>
      %sub3A_42 = arith.subf %get3A_40, %sub3A_41 : vector<4096x256xf32>
      %mul3A_43 = vector.broadcast %mul3A_37 : vector<1x256xf32> to vector<4096x256xf32>
      %mul3A_44 = arith.mulf %sub3A_42, %mul3A_43 : vector<4096x256xf32>
      %get3A_45 = arith.constant 0 : index
      %get3A_46 = arith.constant 0 : index
      %get3A_47 = vector.load %arg8[%get3A_45, %get3A_46] : memref<1x256xf32, #tpu.memory_space<vmem>>, vector<1x256xf32>
      %add3A_48 = vector.broadcast %get3A_47 : vector<1x256xf32> to vector<4096x256xf32>
      %add3A_49 = arith.addf %mul3A_44, %add3A_48 : vector<4096x256xf32>
      %max3A = arith.constant 0.000000e+00 : f32
      %max3A_50 = vector.broadcast %max3A : f32 to vector<4096x256xf32>
      %max3A_51 = arith.maximumf %add3A_49, %max3A_50 : vector<4096x256xf32>
      %get3A_52 = arith.constant 0 : index
      %get3A_53 = arith.constant 0 : index
      %get3A_54 = vector.load %arg9[%get3A_52, %get3A_53] : memref<256x128xf32, #tpu.memory_space<vmem>>, vector<256x128xf32>
      %dot_general3A = arith.constant dense<0.000000e+00> : vector<4096x128xf32>
      %dot_general3A_55 = tpu.matmul %max3A_51, %get3A_54, %dot_general3A {dimension_numbers = #tpu.dot_dimension_numbers<[1], [0], [0], [1], [0, 0, 1, 1], [], []>, transpose_lhs_hint = false} : vector<4096x256xf32>, vector<256x128xf32>, vector<4096x128xf32> -> vector<4096x128xf32>
      %get3A_56 = arith.constant 0 : index
      %get3A_57 = arith.constant 0 : index
      %get3A_58 = vector.load %arg10[%get3A_56, %get3A_57] : memref<1x128xf32, #tpu.memory_space<vmem>>, vector<1x128xf32>
      %add3A_59 = vector.broadcast %get3A_58 : vector<1x128xf32> to vector<4096x128xf32>
      %add3A_60 = arith.addf %dot_general3A_55, %add3A_59 : vector<4096x128xf32>
      %swap3A = arith.index_cast %mul3A_0 : i32 to index
      %swap3A_61 = arith.constant 0 : index
      %swap3A_62 = vector.load %arg15[%swap3A, %swap3A_61] : memref<16384x128xf32, #tpu.memory_space<vmem>>, vector<4096x128xf32>
      tpu.vector_store %arg15[%swap3A, %swap3A_61], %add3A_60 {strides = array<i32>} : memref<16384x128xf32, #tpu.memory_space<vmem>>, vector<4096x128xf32>,
      %get3A_63 = arith.constant 0 : index
      %get3A_64 = arith.constant 0 : index
      %get3A_65 = vector.load %arg18[%get3A_63, %get3A_64] : memref<1x128xf32, #tpu.memory_space<vmem>>, vector<1x128xf32>
      %reduce_sum3A = arith.constant dense<0.000000e+00> : vector<128xf32>
      %reduce_sum3A_66 = vector.multi_reduction <add>, %add3A_60, %reduce_sum3A [0] : vector<4096x128xf32> to vector<128xf32>
      %broadcast_in_dim3A = vector.shape_cast %reduce_sum3A_66 : vector<128xf32> to vector<1x128xf32>
      %add3A_67 = arith.addf %get3A_65, %broadcast_in_dim3A : vector<1x128xf32>
      %swap3A_68 = arith.constant 0 : index
      %swap3A_69 = arith.constant 0 : index
      %swap3A_70 = vector.load %arg18[%swap3A_68, %swap3A_69] : memref<1x128xf32, #tpu.memory_space<vmem>>, vector<1x128xf32>
      tpu.vector_store %arg18[%swap3A_68, %swap3A_69], %add3A_67 {strides = array<i32>} : memref<1x128xf32, #tpu.memory_space<vmem>>, vector<1x128xf32>,
      %get3A_71 = arith.constant 0 : index
      %get3A_72 = arith.constant 0 : index
      %get3A_73 = vector.load %arg19[%get3A_71, %get3A_72] : memref<1x128xf32, #tpu.memory_space<vmem>>, vector<1x128xf32>
      %mul3A_74 = arith.mulf %add3A_60, %add3A_60 : vector<4096x128xf32>
      %reduce_sum3A_75 = arith.constant dense<0.000000e+00> : vector<128xf32>
      %reduce_sum3A_76 = vector.multi_reduction <add>, %mul3A_74, %reduce_sum3A_75 [0] : vector<4096x128xf32> to vector<128xf32>
      %broadcast_in_dim3A_77 = vector.shape_cast %reduce_sum3A_76 : vector<128xf32> to vector<1x128xf32>
      %add3A_78 = arith.addf %get3A_73, %broadcast_in_dim3A_77 : vector<1x128xf32>
      %swap3A_79 = arith.constant 0 : index
      %swap3A_80 = arith.constant 0 : index
      %swap3A_81 = vector.load %arg19[%swap3A_79, %swap3A_80] : memref<1x128xf32, #tpu.memory_space<vmem>>, vector<1x128xf32>
      tpu.vector_store %arg19[%swap3A_79, %swap3A_80], %add3A_78 {strides = array<i32>} : memref<1x128xf32, #tpu.memory_space<vmem>>, vector<1x128xf32>,
    } else {
    }
    %eq3A_15 = arith.constant 2 : i32
    %eq3A_16 = arith.cmpi eq, %arg0, %eq3A_15 : i32
    %convert_element_type3A_17 = arith.extui %eq3A_16 : i1 to i32
    %cond3A_18 = arith.constant 0 : i32
    %cond3A_19 = arith.cmpi ne, %convert_element_type3A_17, %cond3A_18 : i32
    scf.if %cond3A_19 {
      %get3A = arith.constant 0 : index
      %get3A_20 = arith.constant 0 : index
      %get3A_21 = vector.load %arg18[%get3A, %get3A_20] : memref<1x128xf32, #tpu.memory_space<vmem>>, vector<1x128xf32>
      %mul3A_22 = arith.constant 6.10351563E-5 : f32
      %mul3A_23 = vector.broadcast %mul3A_22 : f32 to vector<1x128xf32>
      %mul3A_24 = arith.mulf %get3A_21, %mul3A_23 : vector<1x128xf32>
      %get3A_25 = arith.constant 0 : index
      %get3A_26 = arith.constant 0 : index
      %get3A_27 = vector.load %arg19[%get3A_25, %get3A_26] : memref<1x128xf32, #tpu.memory_space<vmem>>, vector<1x128xf32>
      %mul3A_28 = arith.constant 6.10351563E-5 : f32
      %mul3A_29 = vector.broadcast %mul3A_28 : f32 to vector<1x128xf32>
      %mul3A_30 = arith.mulf %get3A_27, %mul3A_29 : vector<1x128xf32>
      %mul3A_31 = arith.mulf %mul3A_24, %mul3A_24 : vector<1x128xf32>
      %sub3A = arith.subf %mul3A_30, %mul3A_31 : vector<1x128xf32>
      %get3A_32 = arith.constant 0 : index
      %get3A_33 = arith.constant 0 : index
      %get3A_34 = vector.load %arg11[%get3A_32, %get3A_33] : memref<1x128xf32, #tpu.memory_space<vmem>>, vector<1x128xf32>
      %add3A = arith.constant 9.99999974E-6 : f32
      %add3A_35 = vector.broadcast %add3A : f32 to vector<1x128xf32>
      %add3A_36 = arith.addf %sub3A, %add3A_35 : vector<1x128xf32>
      %rsqrt3A = math.rsqrt %add3A_36 : vector<1x128xf32>
      %mul3A_37 = arith.mulf %get3A_34, %rsqrt3A : vector<1x128xf32>
      %get3A_38 = arith.index_cast %mul3A_0 : i32 to index
      %get3A_39 = arith.constant 0 : index
      %get3A_40 = vector.load %arg15[%get3A_38, %get3A_39] : memref<16384x128xf32, #tpu.memory_space<vmem>>, vector<4096x128xf32>
      %sub3A_41 = vector.broadcast %mul3A_24 : vector<1x128xf32> to vector<4096x128xf32>
      %sub3A_42 = arith.subf %get3A_40, %sub3A_41 : vector<4096x128xf32>
      %mul3A_43 = vector.broadcast %mul3A_37 : vector<1x128xf32> to vector<4096x128xf32>
      %mul3A_44 = arith.mulf %sub3A_42, %mul3A_43 : vector<4096x128xf32>
      %get3A_45 = arith.constant 0 : index
      %get3A_46 = arith.constant 0 : index
      %get3A_47 = vector.load %arg12[%get3A_45, %get3A_46] : memref<1x128xf32, #tpu.memory_space<vmem>>, vector<1x128xf32>
      %add3A_48 = vector.broadcast %get3A_47 : vector<1x128xf32> to vector<4096x128xf32>
      %add3A_49 = arith.addf %mul3A_44, %add3A_48 : vector<4096x128xf32>
      %max3A = arith.constant 0.000000e+00 : f32
      %max3A_50 = vector.broadcast %max3A : f32 to vector<4096x128xf32>
      %max3A_51 = arith.maximumf %add3A_49, %max3A_50 : vector<4096x128xf32>
      %swap3A = arith.constant 0 : index
      %swap3A_52 = arith.constant 0 : index
      %swap3A_53 = vector.load %arg13[%swap3A, %swap3A_52] : memref<4096x128xf32, #tpu.memory_space<vmem>>, vector<4096x128xf32>
      tpu.vector_store %arg13[%swap3A, %swap3A_52], %max3A_51 {strides = array<i32>} : memref<4096x128xf32, #tpu.memory_space<vmem>>, vector<4096x128xf32>,
    } else {
    }
    return
  }
  func.func @transform_0(%arg0: i32, %arg1: i32) -> (i32, i32) {
    %eq3A = arith.constant 0 : i32
    %eq3A_0 = arith.cmpi eq, %arg0, %eq3A : i32
    %jit3A = arith.constant 0 : i32
    %select_n3A = arith.select %eq3A_0, %arg1, %jit3A : i32
    %c0_i32 = arith.constant 0 : i32
    %c0_i32_1 = arith.constant 0 : i32
    return %select_n3A, %c0_i32 : i32, i32
  }
  func.func @transform_1(%arg0: i32, %arg1: i32) -> (i32, i32) {
    %eq3A = arith.constant 0 : i32
    %eq3A_0 = arith.cmpi eq, %arg0, %eq3A : i32
    %jit3A = arith.constant 0 : i32
    %select_n3A = arith.select %eq3A_0, %arg1, %jit3A : i32
    %c0_i32 = arith.constant 0 : i32
    %c0_i32_1 = arith.constant 0 : i32
    return %select_n3A, %c0_i32 : i32, i32
  }
  func.func @transform_2(%arg0: i32, %arg1: i32) -> (i32, i32) {
    %eq3A = arith.constant 0 : i32
    %eq3A_0 = arith.cmpi eq, %arg0, %eq3A : i32
    %jit3A = arith.constant 0 : i32
    %select_n3A = arith.select %eq3A_0, %arg1, %jit3A : i32
    %c0_i32 = arith.constant 0 : i32
    %c0_i32_1 = arith.constant 0 : i32
    return %select_n3A, %c0_i32 : i32, i32
  }
  func.func @transform_3(%arg0: i32, %arg1: i32) -> (i32, i32) {
    %c0_i32 = arith.constant 0 : i32
    %c0_i32_0 = arith.constant 0 : i32
    %c0_i32_1 = arith.constant 0 : i32
    return %c0_i32, %c0_i32_0 : i32, i32
  }
  func.func @transform_4(%arg0: i32, %arg1: i32) -> (i32, i32) {
    %c0_i32 = arith.constant 0 : i32
    %c0_i32_0 = arith.constant 0 : i32
    %c0_i32_1 = arith.constant 0 : i32
    return %c0_i32, %c0_i32_0 : i32, i32
  }
  func.func @transform_5(%arg0: i32, %arg1: i32) -> (i32, i32) {
    %c0_i32 = arith.constant 0 : i32
    %c0_i32_0 = arith.constant 0 : i32
    %c0_i32_1 = arith.constant 0 : i32
    return %c0_i32, %c0_i32_0 : i32, i32
  }
  func.func @transform_6(%arg0: i32, %arg1: i32) -> (i32, i32) {
    %c0_i32 = arith.constant 0 : i32
    %c0_i32_0 = arith.constant 0 : i32
    %c0_i32_1 = arith.constant 0 : i32
    return %c0_i32, %c0_i32_0 : i32, i32
  }
  func.func @transform_7(%arg0: i32, %arg1: i32) -> (i32, i32) {
    %c0_i32 = arith.constant 0 : i32
    %c0_i32_0 = arith.constant 0 : i32
    %c0_i32_1 = arith.constant 0 : i32
    return %c0_i32, %c0_i32_0 : i32, i32
  }
  func.func @transform_8(%arg0: i32, %arg1: i32) -> (i32, i32) {
    %c0_i32 = arith.constant 0 : i32
    %c0_i32_0 = arith.constant 0 : i32
    %c0_i32_1 = arith.constant 0 : i32
    return %c0_i32, %c0_i32_0 : i32, i32
  }
  func.func @transform_9(%arg0: i32, %arg1: i32) -> (i32, i32) {
    %c0_i32 = arith.constant 0 : i32
    %c0_i32_0 = arith.constant 0 : i32
    %c0_i32_1 = arith.constant 0 : i32
    return %c0_i32, %c0_i32_0 : i32, i32
  }
  func.func @transform_10(%arg0: i32, %arg1: i32) -> (i32, i32) {
    %c0_i32 = arith.constant 0 : i32
    %c0_i32_0 = arith.constant 0 : i32
    %c0_i32_1 = arith.constant 0 : i32
    return %c0_i32, %c0_i32_0 : i32, i32
  }
  func.func @transform_11(%arg0: i32, %arg1: i32) -> (i32, i32) {
    %eq3A = arith.constant 2 : i32
    %eq3A_0 = arith.cmpi eq, %arg0, %eq3A : i32
    %jit3A = arith.constant 0 : i32
    %select_n3A = arith.select %eq3A_0, %arg1, %jit3A : i32
    %c0_i32 = arith.constant 0 : i32
    %c0_i32_1 = arith.constant 0 : i32
    return %select_n3A, %c0_i32 : i32, i32
  }
}

</mosaic_0001>

<sc_bundles>
// kernel: kernel.5.cloned.1.call-start
scs
__scs_entry_jumppad:
0x0: {  	(pc) =	sbr.rel $0x88, $3  }
0x1: {  	(tag) =	ssettag $0x0;
	lr =	simm.s32 $0x1  }
0x2: {  	[smem:$0x3F8C] =	sst lr;
	_ =	strace $0xD0000000  }
0x3: {  	_ = 	snop  }
0x4: {  	_ = 	snop  }
0x5: {  	_ = 	snop  }
0x6: {  	_ = 	snop  }
0x7: {  	_ = 	snop  }
__scs_overlays_trampoline_lowered:
0x8: {  	[smem:$0x3F9B] =	sst s0  }
0x9: {  	[smem:$0x3F9C] =	sst s1  }
0xa: {  	[smem:$0x3F9D] =	sst s2  }
0xb: {  	[smem:$0x3F9E] =	sst s3  }
0xc: {  	[smem:$0x3F9F] =	sst s4  }
0xd: {  	[smem:$0x3FA0] =	sst s5  }
0xe: {  	[smem:$0x3FA1] =	sst s6  }
0xf: {  	[smem:$0x3FA2] =	sst s7  }
0x10: {  	[smem:$0x3FA3] =	sst s8  }
0x11: {  	[smem:$0x3FA4] =	sst s9;
	s0 =	simm.s32 @!p0 $0x0  }
0x12: {  	s1 =	sld [smem:$0x3F8A];
	s0 =	simm.s32 @p0 $0x1  }
0x13: {  	[smem:$0x3FA5] =	sst s0;
	s0 =	simm.s32 @!p1 $0x0  }
0x14: {  	s2 =	sld [smem:$0x3F89];
	s0 =	simm.s32 @p1 $0x1  }
0x15: {  	[smem:$0x3FA6] =	sst s0;
	s0 =	simm.s32 @!p2 $0x0  }
0x16: {  	s3 =	sld [smem:$0x3FDB];
	s0 =	simm.s32 @p2 $0x1  }
0x17: {  	s4 =	simm.s32 $0x1BF5;
	[smem:$0x3FA8] =	sst s0  }
0x18: {  	s0 =	sld [smem:$0x3F8B];
	_ =	swait.ge [sflag:s4], $0x0  }
0x19: {  	s7 =	sld [smem:$0x3F8C]  }
0x1a: {  	s8 =	sadd.s32 $0xFFFFE003, lr  }
0x1b: {  	s9 =	sadd.s32 $0xFFFFFEF7, lr;
	s5 =	simm.s32 $0xFFFFFFFF;
	p2 =	slt.u32 s8, $0xFFFFF086  }
0x1c: {  	p1 =	slt.u32 s9, $0xF7A;
	s5 =	simm.s32 @!p2 $0x0  }
0x1d: {  	s5 =	simm.s32 @p1 $0x1;
	p0 =	seq.s32 s7, s2  }
0x1e: {  	s7 =	smul.u32 @!p0 $0xF7A, s2;
	p2 =	seq.s32 @!p0 s5, $0x0  }
0x1f: {  	s9 =	smul.u32 $0xF7A, s1;
	s8 =	simm.s32 @!p0 $0x1BF5;
	p2 =	por !p2, p0  }
0x20: {  	[sflag:s8] =	ssyncset.s32 @!p0 $0xFFFFF086;
	s6 =	sadd.s32 @!p0 s3, s7;
	s7 =	simm.s32 @!p0 $0x108  }
0x21: {  	s3 =	sadd.s32 s3, s9;
	s6 =	sadd.s32 @!p0 $0x88, s6;
	s7 =	simm.s32 @p2 $0x1082  }
0x22: {  	[simem:s7], [sflag:s8] =	dma.local @!p0 [hbm:s6], $0xF7A  }
0x23: {  	s9 =	sor.u32 $0xD0000000, s2;
	s6 =	simm.s32 $0x108;
	_ =	swait.ge @!p0 [sflag:s8], $0x0  }
0x24: {  	s3 =	sadd.s32 $0x88, s3;
	s6 =	simm.s32 @!p1 $0x1082;
	[sflag:s4] =	ssyncset.s32 $0xFFFFF086  }
0x25: {  	[simem:s6], [sflag:s4] =	dma.local [hbm:s3], $0xF7A  }
0x26: {  	[smem:$0x3F8C] =	sst s1;
	(tag) =	ssettag s2;
	_ =	strace s9  }
0x27: {  	s1 =	sld [smem:$0x3F9C]  }
0x28: {  	s2 =	sld [smem:$0x3F9D]  }
0x29: {  	s4 =	sld [smem:$0x3F9F]  }
0x2a: {  	p0 =	seq.s32 s5, $0x0;
	s5 =	sld [smem:$0x3FA0]  }
0x2b: {  	s6 =	sld [smem:$0x3FA1]  }
0x2c: {  	s7 =	sld [smem:$0x3FA2]  }
0x2d: {  	s3 =	simm.s32 $0x108;
	s8 =	sld [smem:$0x3FA3]  }
0x2e: {  	s3 =	simm.s32 @!p0 $0x1082;
	s9 =	sld [smem:$0x3FA4]  }
0x2f: {  	lr =	sadd.s32 s0, s3;
	s0 =	sld [smem:$0x3F9B]  }
0x30: {  	s3 =	sld [smem:$0x3F9E]  }
0x31: {  	[smem:$0x3FA7] =	sst s10  }
0x32: {  	s10 =	sld [smem:$0x3FA5];
	_ =	sdelay $0x3  }
0x33: {  	p0 =	seq.s32 s10, $0x1;
	s10 =	sld [smem:$0x3FA7];
	_ =	sdelay $0x3  }
0x34: {  	[smem:$0x3FA7] =	sst s10  }
0x35: {  	s10 =	sld [smem:$0x3FA6];
	_ =	sdelay $0x3  }
0x36: {  	p1 =	seq.s32 s10, $0x1;
	s10 =	sld [smem:$0x3FA7];
	_ =	sdelay $0x3  }
0x37: {  	[smem:$0x3FA7] =	sst s10  }
0x38: {  	s10 =	sld [smem:$0x3FA8]  }
0x39: {  	_ = 	snop;
	(pc) =	sbr.ind lr, $3  }
0x3a: {  	_ = 	snop  }
0x3b: {  	_ = 	snop  }
0x3c: {  	p2 =	seq.s32 s10, $0x1;
	s10 =	sld [smem:$0x3FA7]  }
0x3d: {  	_ =	shalt  }
0x3e: {  	_ =	shalt  }
0x3f: {  	_ =	shalt  }
0x40: {  	_ =	shalt  }
0x41: {  	_ =	shalt  }
0x42: {  	_ =	shalt  }
0x43: {  	_ =	shalt  }
0x44: {  	_ =	shalt  }
0x45: {  	_ =	shalt  }
0x46: {  	_ =	shalt  }
0x47: {  	_ =	shalt  }
0x48: {  	_ =	shalt  }
0x49: {  	_ =	shalt  }
0x4a: {  	_ =	shalt  }
0x4b: {  	_ =	shalt  }
0x4c: {  	_ =	shalt  }
0x4d: {  	_ =	shalt  }
0x4e: {  	_ =	shalt  }
0x4f: {  	_ =	shalt  }
0x50: {  	_ =	shalt  }
0x51: {  	_ =	shalt  }
0x52: {  	_ =	shalt  }
0x53: {  	_ =	shalt  }
0x54: {  	_ =	shalt  }
0x55: {  	_ =	shalt  }
0x56: {  	_ =	shalt  }
0x57: {  	_ =	shalt  }
0x58: {  	_ =	shalt  }
0x59: {  	_ =	shalt  }
0x5a: {  	_ =	shalt  }
0x5b: {  	_ =	shalt  }
0x5c: {  	_ =	shalt  }
0x5d: {  	_ =	shalt  }
0x5e: {  	_ =	shalt  }
0x5f: {  	_ =	shalt  }
0x60: {  	_ =	shalt  }
0x61: {  	_ =	shalt  }
0x62: {  	_ =	shalt  }
0x63: {  	_ =	shalt  }
0x64: {  	_ =	shalt  }
0x65: {  	_ =	shalt  }
0x66: {  	_ =	shalt  }
0x67: {  	_ =	shalt  }
0x68: {  	_ =	shalt  }
0x69: {  	_ =	shalt  }
0x6a: {  	_ =	shalt  }
0x6b: {  	_ =	shalt  }
0x6c: {  	_ =	shalt  }
0x6d: {  	_ =	shalt  }
0x6e: {  	_ =	shalt  }
0x6f: {  	_ =	shalt  }
0x70: {  	_ =	shalt  }
0x71: {  	_ =	shalt  }
0x72: {  	_ =	shalt  }
0x73: {  	_ =	shalt  }
0x74: {  	_ =	shalt  }
0x75: {  	_ =	shalt  }
0x76: {  	_ =	shalt  }
0x77: {  	_ =	shalt  }
0x78: {  	_ =	shalt  }
0x79: {  	_ =	shalt  }
0x7a: {  	_ =	shalt  }
0x7b: {  	_ =	shalt  }
0x7c: {  	_ =	shalt  }
0x7d: {  	_ =	shalt  }
0x7e: {  	_ =	shalt  }
0x7f: {  	_ =	shalt  }
0x80: {  	_ =	shalt  }
0x81: {  	_ =	shalt  }
0x82: {  	_ =	shalt  }
0x83: {  	_ =	shalt  }
0x84: {  	_ =	shalt  }
0x85: {  	_ =	shalt  }
0x86: {  	_ =	shalt  }
0x87: {  	_ =	shalt  }
.Lfunc_end0:
.L_simem_size_0:
called_computation_lowered:
.L_overlay_start_0:
0x88: {  	s2 =	sld [smem:$0x3FD9]  }
0x89: {  	s3 =	sld [smem:$0x3FFE];
	_ =	sdelay $0x1  }
0x8a: {  	s1 =	srdreg.scid  }
0x8b: {  	s0 =	sand.u32 $0x1, s1  }
0x8c: {  	s17 =	sshll.u32 s0, $0xA;
	s2 =	sadd.s32 s3, s2  }
0x8d: {  	s2 =	sadd.s32 s2, s17  }
0x8e: {  	[smem:$0x3FB3] =	sst s2  }
0x8f: {  	_ = 	snop  }
0x90: {  	s2 =	sld [smem:$0x3FC9]  }
0x91: {  	s18 =	sld [smem:$0x3FC8];
	(tm) =	ssettm $0x1  }
0x92: {  	s4 =	sld [smem:$0x3FFB];
	_ =	sdelay $0x3  }
0x93: {  	_ =	strace s4  }
0x94: {  	s4 =	sld [smem:$0x3FFC];
	_ =	sdelay $0x3  }
0x95: {  	_ =	strace s4  }
0x96: {  	s4 =	sld [smem:$0x3FFD];
	_ =	sdelay $0x3  }
0x97: {  	_ =	strace s4  }
0x98: {  	_ =	strace $0x8FFFFFFF  }
0x99: {  	s19 =	sld [smem:$0x3FDB];
	_ =	sdelay $0x1  }
0x9a: {  	s5 =	simm.s32 $_scs_section_size  }
0x9b: {  	s6 =	simm.s32 $_size__tile_overlayer_lowered;
	s7 =	simm.s32 $_tile_overlayer_lowered  }
0x9c: {  	s22 =	simm.s32 $0x1BFF;
	s21 =	sshll.u32 s7, $0x1;
	s4 =	sadd.s32 s5, s19  }
0x9d: {  	s8 =	simm.s32 $0x0;
	s20 =	sshll.u32 s6, $0x1;
	s6 =	sadd.s32 s21, s4  }
0x9e: {  	[timem:s8], [sflag:s22] =	dma.local [hbm:s6], s20  }
0x9f: {  	_ =	swait.ge [sflag:s22], s20  }
0xa0: {  	s5 =	ssub.s32 $0x0, s20;
	[sflag:s22] =	ssyncset.done $0x0  }
0xa1: {  	[sflag:s22] =	ssyncadd.s32 s5;
	_ =	sdelay $0x1  }
0xa2: {  	s23 =	simm.s32 $0x1B8B  }
0xa3: {  	_ =	swait.ge [sflag:s23], $0x1  }
0xa4: {  	[sflag:s23] =	ssyncset.done $0x0  }
0xa5: {  	s25 =	simm.s32 $0x1B8E;
	s24 =	sld [smem:$0x3FFE];
	[sflag:s23] =	ssyncadd.s32 $0xFFFFFFFF  }
0xa6: {  	s26 =	simm.s32 $execute0_lowered;
	[smem:$0x3FD2] =	sst s25  }
0xa7: {  	s6 =	sshll.u32 s26, $0x1;
	_ =	strace $0x80000046;
	[dreg:$0x1] =	wrdreg $0xFFFFFFFF  }
0xa8: {  	s28 =	simm.s32 $_size_execute0_lowered;
	s4 =	sadd.s32 s4, s6;
	[dreg:$0x0] =	wrdreg $0x0  }
0xa9: {  	s6 =	sshll.u32 s28, $0x1;
	[dreg:$0x2] =	wrdreg s4  }
0xaa: {  	[dreg:$0x3] =	wrdreg s6  }
0xab: {  	[dreg:$0x4] =	wrdreg $0xC0  }
0xac: {  	_ =	task [dreg:s8], $0x5FFFF  }
0xad: {  	[dreg:$0x1] =	wrdreg $0xFFFFFFFF  }
0xae: {  	[dreg:$0x0] =	wrdreg $0x60  }
0xaf: {  	[dreg:$0x2] =	wrdreg s2  }
0xb0: {  	[dreg:$0x3] =	wrdreg s18  }
0xb1: {  	[dreg:$0x4] =	wrdreg s24  }
0xb2: {  	[dreg:$0x5] =	wrdreg $0x9  }
0xb3: {  	_ =	task.clear_ibuf [dreg:s8], $0x6FFFF;
	_ =	strace $0x90000046  }
0xb4: {  	s29 =	simm.s32 $0x9;
	_ =	strace $0x80000048  }
0xb5: {  	_ =	swait.ge [sflag:s29], $0x1  }
0xb6: {  	[sflag:s29] =	ssyncadd.s32 $0xFFFFFFFF  }
0xb7: {  	_ =	strace $0x90000048  }
0xb8: {  	_ =	sfence  }
0xb9: {  	s30 =	sld [smem:$0x0];
	_ =	sdelay $0x2  }
0xba: {  	s31 =	sshll.u32 s1, $0xD;
	s1 =	sshrl.u32 s1, $0x2  }
0xbb: {  	s3 =	sand.u32 $0x4000, s31;
	s1 =	sadd.s32 s1, s30  }
0xbc: {  	s0 =	sor.u32 s3, s0;
	s1 =	sshll.u32 s1, $0x11  }
0xbd: {  	s0 =	sor.u32 s1, s0  }
0xbe: {  	s0 =	sadd.s32 $0x8F2B, s0  }
0xbf: {  	[sflag:s0] =	ssyncadd.remote.s32 $0x1  }
0xc0: {  	_ =	sfence.sel $0xFFFF  }
0xc1: {  	[dreg:$0x0] =	wrdreg $0xFFFFFFFF;
	(pc) =	sbr.abs _section_cstart, $3  }
0xc2: {  	[dreg:$0x1] =	wrdreg $0xFFFFFFFF  }
0xc3: {  	_ =	task.clear_ibuf [dreg:s8], $0x2FFFF;
	_ =	strace $0x9FFFFFFF  }
0xc4: {  	(tm) =	ssettm $0x7FFFFFFF  }
0xc5: {  	_ =	shalt  }
tec
execute0_lowered:
.L_overlay_start_1:
0x0: {  	(tag) =	ssettag $0x1  }
0x1: {  	s0 =	rddreg [dreg:$0x0]  }
0x2: {  	s1 =	rddreg [dreg:$0x1]  }
0x3: {  	s5 =	rddreg [dreg:$0x2];
	s3 =	srdreg.scid;
	s2 =	simm.s32 $0x0  }
0x4: {  	s4 =	stileid.u32;
	s10 =	simm.s32 $0x4;
	s6 =	sand.u32 $0x1, s3  }
0x5: {  	s11 =	simm.s32 $0x1;
	s4 =	sshll.u32 s4, $0xA;
	s7 =	sshll.u32 s6, $0x9  }
0x6: {  	s13 =	simm.s32 $0x2;
	[smem:$0x7FF] =	sst s2;
	s7 =	sor.u32 s7, s4  }
0x7: {  	s6 =	ssub.s32 $0x2, s6;
	s8 =	sshll.u32 s7, $0x4;
	s7 =	sshrl.u32 s7, $0x3  }
0x8: {  	vm0 =	vmmov $0x1;
	_ =	strace $0x80000047;
	s26 =	sshrl.u32 s6, $0x1;
	s0 =	sadd.s32 s0, s7  }
0x9: {  	vm1 =	vcmask $0x308;
	vm2 =	vcmask $0x70C;
	vm3 =	vcmask $0xB10;
	s9 =	ssub.s32 s6, s26;
	s29 =	sadd.s32 s1, s7;
	[dreg:$0x4] =	wrdreg s0  }
0xa: {  	vm4 =	vcmask $0xF14;
	vm5 =	vcmask $0x1318;
	vm6 =	vcmask $0x171C;
	s8 =	sadd.s32 s8, s5;
	s31 =	smax.u32 s9, $0x1;
	[dreg:$0x6] =	wrdreg s29  }
0xb: {  	vm7 =	vcmask $0x1B20;
	vm8 =	vcmask $0x1F24;
	vm9 =	vcmask $0x2328;
	s14 =	simm.s32 $0x3;
	s28 =	sadd.s32 $0x10CB000, s8;
	[dreg:$0x8] =	wrdreg s31  }
0xc: {  	vm10 =	vcmask $0x272C;
	vm11 =	vcmask $0x2B30;
	vm12 =	vcmask $0x2F34;
	s15 =	simm.s32 $0x0;
	s30 =	sadd.s32 $0x110B000, s8;
	[dreg:$0x5] =	wrdreg s28  }
0xd: {  	vm13 =	vcmask $0x3338;
	vm14 =	vcmask $0x373C;
	vm15 =	vmmov $0x7fff;
	s3 =	sadd.s32 $0x2200, s5;
	s4 =	sadd.s32 $0xF44600, s5;
	[dreg:$0x7] =	wrdreg s30  }
.LBB2_1:
0xe: {  	s0 =	rddreg [dreg:$0x4]  }
0xf: {  	[tilespmem:s2], [sflag:$0x4] =	stream.linear.gather [hbm4b:s0+s2], $0x200, $0x38;
	[tilespmem:$0x10200] =	vst v63  }
0x10: {  	_ =	swait.ge [sflag:s10], $0x200  }
0x11: {  	[sflag:s10] =	ssyncset.done $0x0  }
0x12: {  	[sflag:s10] =	ssyncadd.s32 $0xFFFFFE00  }
0x13: {  	v0 =	vld [tilespmem:s2+$0x0];
	_ =	sdelay $0x4  }
0x14: {  	v1 =	vnsel vm0, $0x0, v0  }
0x15: {  	v2 =	vsel vm2, $0x0, v0;
	(xrf0) =	vadd.scan.msk.s32 $0xffff, v1  }
0x16: {  	v40 =	vsel vm3, $0x0, v0;
	(xrf0) =	vadd.scan.msk.s32 $0xffff, v2  }
0x17: {  	v41 =	vsel vm1, $0x0, v0;
	(xrf0) =	vadd.scan.msk.s32 $0xffff, v40  }
0x18: {  	(xrf0) =	vadd.scan.msk.s32 $0xffff, v41;
	_ =	sdelay $0x2  }
0x19: {  	v42, _, _ =	vpop (xrf0)  }
0x1a: {  	v43 =	vsel vm8, $0x0, v0;
	(v2sf) =	vpush v42, $0xF;
	v44, _, _ =	vpop (xrf0)  }
0x1b: {  	v3 =	vsel vm9, $0x0, v0;
	(xrf0) =	vadd.scan.msk.s32 $0xffff, v43;
	(v2sf) =	vpush v44, $0xF;
	v45, _, _ =	vpop (xrf0)  }
0x1c: {  	v46 =	vsel vm5, $0x0, v0;
	(xrf0) =	vadd.scan.msk.s32 $0xffff, v3;
	v47, _, _ =	vpop (xrf0);
	(v2sf) =	vpush v45, $0xF  }
0x1d: {  	v48 =	vsel vm4, $0x0, v0;
	(xrf0) =	vadd.scan.msk.s32 $0xffff, v46;
	(v2sf) =	vpush v47, $0xF  }
0x1e: {  	(xrf0) =	vadd.scan.msk.s32 $0xffff, v48;
	_ =	sdelay $0x1  }
0x1f: {  	v49 =	vsel vm10, $0x0, v0  }
0x20: {  	v50 =	vsel vm11, $0x0, v0;
	(xrf0) =	vadd.scan.msk.s32 $0xffff, v49;
	v51, _, _ =	vpop (xrf0)  }
0x21: {  	v52 =	vsel vm12, $0x0, v0;
	(xrf0) =	vadd.scan.msk.s32 $0xffff, v50;
	v53, _, _ =	vpop (xrf0)  }
0x22: {  	v4 =	vsel vm13, $0x0, v0;
	(xrf0) =	vadd.scan.msk.s32 $0xffff, v52;
	(v2sf) =	vpush v51, $0xF;
	v54, _, _ =	vpop (xrf0)  }
0x23: {  	v55 =	vsel vm14, $0x0, v0;
	(xrf0) =	vadd.scan.msk.s32 $0xffff, v4;
	v56, _, _ =	vpop (xrf0)  }
0x24: {  	v5 =	vsel vm6, $0x0, v0;
	(xrf0) =	vadd.scan.msk.s32 $0xffff, v55;
	(v2sf) =	vpush v56, $0xF  }
0x25: {  	v57 =	vsel vm7, $0x0, v0;
	(xrf0) =	vadd.scan.msk.s32 $0xffff, v5  }
0x26: {  	s16 =	simm.s32 $0x2000;
	s17 =	simm.s32 $0x0;
	s7 =	simm.s32 $0x300;
	(xrf0) =	vadd.scan.msk.s32 $0xffff, v57;
	v58, _, _ =	vpop (xrf0);
	(v2sf) =	vpush v54, $0xF  }
0x27: {  	s1 =	simm.s32 $0x400;
	s21 =	simm.s32 $0x580;
	s18 =	simm.s32 $0x200;
	v59, _, _ =	vpop (xrf0)  }
0x28: {  	s25 =	simm.s32 $0x280;
	s22 =	simm.s32 $0x500;
	(v2sf) =	vpush v58, $0xF;
	v60, _, _ =	vpop (xrf0);
	s19 =	spop (v2sf)  }
0x29: {  	s26 =	simm.s32 $0x480;
	v61, _, _ =	vpop (xrf0);
	s19 =	sshll.u32 s19, $0x4;
	s28 =	spop (v2sf)  }
0x2a: {  	s20 =	simm.s32 $0x800;
	v62, _, _ =	vpop (xrf0);
	(v2sf) =	vpush v53, $0xF;
	s23 =	sand.u32 $0x1FFFFFF0, s19;
	s29 =	spop (v2sf)  }
0x2b: {  	s24 =	simm.s32 $0x700;
	v63, _, _ =	vpop (xrf0);
	s23 =	sadd.s32 s3, s23;
	s30 =	spop (v2sf)  }
0x2c: {  	v6, _, _ =	vpop (xrf0);
	(v2sf) =	vpush v63, $0xF;
	[tilespmem:s18], [sflag:$0x1] =	stream.linear.gather [hbm4b:s23+s2], $0x80, $0x38;
	[tilespmem:$0x10200] =	vst v63  }
0x2d: {  	s19 =	simm.s32 $0x880;
	(v2sf) =	vpush v6, $0xF;
	s28 =	sshll.u32 s28, $0x4;
	s30 =	sshll.u32 s30, $0x4  }
0x2e: {  	s28 =	sand.u32 $0x1FFFFFF0, s28;
	s29 =	sshll.u32 s29, $0x4;
	s30 =	sand.u32 $0x1FFFFFF0, s30  }
0x2f: {  	(v2sf) =	vpush v59, $0xF;
	s18 =	simm.s32 $0x10;
	s23 =	simm.s32 $0x780;
	s30 =	sadd.s32 s3, s30  }
0x30: {  	[tilespmem:s25], [sflag:$0x1] =	stream.linear.gather [hbm4b:s30+s2], $0x80, $0x38;
	[tilespmem:$0x10200] =	vst v63  }
0x31: {  	s8 =	sand.u32 $0x1FFFFFF0, s29;
	s28 =	sadd.s32 s3, s28;
	s30 =	spop (v2sf)  }
0x32: {  	v0 =	vsel vm15, $0x0, v0;
	[tilespmem:s7], [sflag:$0x1] =	stream.linear.gather [hbm4b:s28+s2], $0x80, $0x38;
	[tilespmem:$0x10200] =	vst v63  }
0x33: {  	(xrf0) =	vadd.scan.msk.s32 $0xffff, v0;
	(v2sf) =	vpush v60, $0xF;
	s25 =	sadd.s32 s3, s8;
	s28 =	simm.s32 $0x380;
	s9 =	spop (v2sf)  }
0x34: {  	[tilespmem:s28], [sflag:$0x1] =	stream.linear.gather [hbm4b:s25+s2], $0x80, $0x38;
	[tilespmem:$0x10200] =	vst v63  }
0x35: {  	(v2sf) =	vpush v61, $0xF;
	s12 =	sshll.u32 s30, $0x4;
	s0 =	sshll.u32 s9, $0x4;
	s28 =	spop (v2sf)  }
0x36: {  	s30 =	simm.s32 $0x600;
	s0 =	sand.u32 $0x1FFFFFF0, s0;
	s28 =	sshll.u32 s28, $0x4  }
0x37: {  	s5 =	spop (v2sf);
	s28 =	sand.u32 $0x1FFFFFF0, s28;
	s0 =	sadd.s32 s3, s0  }
0x38: {  	[tilespmem:s1], [sflag:$0x1] =	stream.linear.gather [hbm4b:s0+s2], $0x80, $0x38;
	[tilespmem:$0x10200] =	vst v63  }
0x39: {  	s31 =	sand.u32 $0x1FFFFFF0, s12;
	s7 =	sadd.s32 s3, s28;
	s6 =	spop (v2sf);
	(v2sf) =	vpush v62, $0xF  }
0x3a: {  	v0, _, _ =	vpop (xrf0);
	[tilespmem:s26], [sflag:$0x1] =	stream.linear.gather [hbm4b:s7+s2], $0x80, $0x38;
	[tilespmem:$0x10200] =	vst v63  }
0x3b: {  	s25 =	simm.s32 $0x680;
	s8 =	sshll.u32 s5, $0x4;
	s9 =	spop (v2sf);
	(v2sf) =	vpush v0, $0xF  }
0x3c: {  	s0 =	sand.u32 $0x1FFFFFF0, s8;
	s5 =	sshll.u32 s9, $0x4;
	s12 =	spop (v2sf)  }
0x3d: {  	s28 =	sshll.u32 s6, $0x4;
	s26 =	sand.u32 $0x1FFFFFF0, s5;
	s1 =	sshll.u32 s12, $0x4  }
.LBB2_2:
0x3e: {  	s5 =	sadd.s32 s3, s26;
	s1 =	sand.u32 $0x1FFFFFF0, s1;
	s26 =	spop (v2sf)  }
0x3f: {  	[tilespmem:s22], [sflag:$0x1] =	stream.linear.gather [hbm4b:s5+s2], $0x80, $0x38;
	[tilespmem:$0x10200] =	vst v63  }
0x40: {  	s1 =	sadd.s32 s3, s1;
	s5 =	sand.u32 $0x1FFFFFF0, s28;
	s22 =	sshll.u32 s26, $0x4  }
0x41: {  	[tilespmem:s21], [sflag:$0x1] =	stream.linear.gather [hbm4b:s1+s2], $0x80, $0x38;
	[tilespmem:$0x10200] =	vst v63  }
0x42: {  	s1 =	sadd.s32 s3, s31;
	s21 =	sand.u32 $0x1FFFFFF0, s22;
	s22 =	spop (v2sf)  }
0x43: {  	[tilespmem:s30], [sflag:$0x1] =	stream.linear.gather [hbm4b:s1+s2], $0x80, $0x38;
	[tilespmem:$0x10200] =	vst v63  }
0x44: {  	s1 =	sadd.s32 s3, s5;
	s5 =	sshll.u32 s22, $0x4;
	s22 =	spop (v2sf)  }
0x45: {  	[tilespmem:s25], [sflag:$0x1] =	stream.linear.gather [hbm4b:s1+s2], $0x80, $0x38;
	[tilespmem:$0x10200] =	vst v63  }
0x46: {  	s0 =	sadd.s32 s3, s0;
	s1 =	sand.u32 $0x1FFFFFF0, s5;
	s5 =	sshll.u32 s22, $0x4  }
0x47: {  	[tilespmem:s24], [sflag:$0x1] =	stream.linear.gather [hbm4b:s0+s2], $0x80, $0x38;
	[tilespmem:$0x10200] =	vst v63  }
0x48: {  	s5 =	sand.u32 $0x1FFFFFF0, s5;
	s0 =	sadd.s32 s3, s21;
	s21 =	spop (v2sf)  }
0x49: {  	[tilespmem:s23], [sflag:$0x1] =	stream.linear.gather [hbm4b:s0+s2], $0x80, $0x38;
	[tilespmem:$0x10200] =	vst v63  }
0x4a: {  	s0 =	sadd.s32 s3, s1;
	s1 =	sshll.u32 s21, $0x4;
	s21 =	spop (v2sf)  }
0x4b: {  	[tilespmem:s20], [sflag:$0x1] =	stream.linear.gather [hbm4b:s0+s2], $0x80, $0x38;
	[tilespmem:$0x10200] =	vst v63  }
0x4c: {  	s1 =	sand.u32 $0x1FFFFFF0, s1;
	s0 =	sadd.s32 s3, s5;
	s5 =	sshll.u32 s21, $0x4  }
0x4d: {  	[tilespmem:s19], [sflag:$0x1] =	stream.linear.gather [hbm4b:s0+s2], $0x80, $0x38;
	[tilespmem:$0x10200] =	vst v63  }
0x4e: {  	s1 =	sadd.s32 s3, s1;
	s5 =	sand.u32 $0x1FFFFFF0, s5;
	s0 =	sadd.s32 $0x900, s17  }
0x4f: {  	[tilespmem:s0], [sflag:$0x1] =	stream.linear.gather [hbm4b:s1+s2], $0x80, $0x38;
	[tilespmem:$0x10200] =	vst v63  }
0x50: {  	p0 =	sne.s32 s16, $0x3E000;
	s0 =	sadd.s32 $0x980, s17;
	s1 =	sadd.s32 s3, s5  }
0x51: {  	[tilespmem:s0], [sflag:$0x1] =	stream.linear.gather [hbm4b:s1+s2], $0x80, $0x38;
	[tilespmem:$0x10200] =	vst v63  }
0x52: {  	s0 =	smov.u32 s16;
	s16 =	sadd.s32 $0x2000, s16;
	v0 =	vld [tilespmem:s18+$0x0];
	_ =	sdelay $0x4  }
0x53: {  	v1 =	vnsel vm0, $0x0, v0;
	v2 =	vsel vm3, $0x0, v0;
	v3 =	vsel vm14, $0x0, v0  }
0x54: {  	v4 =	vsel vm2, $0x0, v0;
	v5 =	vsel vm15, $0x0, v0;
	(xrf0) =	vadd.scan.msk.s32 $0xffff, v1  }
0x55: {  	v6 =	vsel vm6, $0x0, v0;
	v1 =	vsel vm1, $0x0, v0;
	(xrf0) =	vadd.scan.msk.s32 $0xffff, v4  }
0x56: {  	v4 =	vsel vm7, $0x0, v0;
	(xrf0) =	vadd.scan.msk.s32 $0xffff, v2  }
0x57: {  	v2 =	vsel vm8, $0x0, v0;
	(xrf0) =	vadd.scan.msk.s32 $0xffff, v1  }
0x58: {  	v1 =	vsel vm9, $0x0, v0;
	(xrf0) =	vadd.scan.msk.s32 $0xffff, v2  }
0x59: {  	v2 =	vsel vm5, $0x0, v0;
	(xrf0) =	vadd.scan.msk.s32 $0xffff, v1  }
0x5a: {  	v1 =	vsel vm4, $0x0, v0;
	v7, _, _ =	vpop (xrf0);
	(xrf0) =	vadd.scan.msk.s32 $0xffff, v2  }
0x5b: {  	v2 =	vsel vm10, $0x0, v0;
	(v2sf) =	vpush v7, $0xF;
	v7, _, _ =	vpop (xrf0);
	(xrf0) =	vadd.scan.msk.s32 $0xffff, v1  }
0x5c: {  	v9 =	vsel vm11, $0x0, v0;
	(v2sf) =	vpush v7, $0xF;
	v7, _, _ =	vpop (xrf0);
	(xrf0) =	vadd.scan.msk.s32 $0xffff, v2  }
0x5d: {  	s17 =	sshra.s32 s0, $0x2;
	v2 =	vsel vm12, $0x0, v0;
	v8, _, _ =	vpop (xrf0);
	(v2sf) =	vpush v7, $0xF;
	(xrf0) =	vadd.scan.msk.s32 $0xffff, v9  }
0x5e: {  	s28 =	sadd.s32 $0x300, s17;
	v7 =	vsel vm13, $0x0, v0;
	(v2sf) =	vpush v8, $0xF;
	v1, _, _ =	vpop (xrf0);
	(xrf0) =	vadd.scan.msk.s32 $0xffff, v2  }
0x5f: {  	s26 =	sadd.s32 $0x400, s17;
	s21 =	sadd.s32 $0x580, s17;
	(v2sf) =	vpush v1, $0xF;
	v1, _, _ =	vpop (xrf0);
	(xrf0) =	vadd.scan.msk.s32 $0xffff, v7  }
0x60: {  	s1 =	sadd.s32 $0x200, s17;
	s0 =	sadd.s32 $0x280, s17;
	v0, _, _ =	vpop (xrf0);
	(xrf0) =	vadd.scan.msk.s32 $0xffff, v3  }
0x61: {  	s22 =	sadd.s32 $0x500, s17;
	v2, _, _ =	vpop (xrf0);
	(xrf0) =	vadd.scan.msk.s32 $0xffff, v6  }
0x62: {  	s29 =	sadd.s32 $0x480, s17;
	(v2sf) =	vpush v2, $0xF;
	(xrf0) =	vadd.scan.msk.s32 $0xffff, v4;
	v2, _, _ =	vpop (xrf0)  }
0x63: {  	(v2sf) =	vpush v0, $0xF;
	v0, _, _ =	vpop (xrf0);
	(xrf0) =	vadd.scan.msk.s32 $0xffff, v5  }
0x64: {  	(v2sf) =	vpush v2, $0xF;
	v2, _, _ =	vpop (xrf0)  }
0x65: {  	v3, _, _ =	vpop (xrf0)  }
0x66: {  	v4, _, _ =	vpop (xrf0)  }
0x67: {  	v5, _, _ =	vpop (xrf0);
	(v2sf) =	vpush v1, $0xF  }
0x68: {  	v1, _, _ =	vpop (xrf0)  }
0x69: {  	s18 =	sadd.s32 $0x10, s18;
	s20 =	sadd.s32 $0x800, s17;
	s19 =	sadd.s32 $0x880, s17;
	(v2sf) =	vpush v5, $0xF;
	v5, _, _ =	vpop (xrf0)  }
0x6a: {  	s24 =	sadd.s32 $0x700, s17;
	s23 =	sadd.s32 $0x780, s17;
	s5 =	spop (v2sf)  }
0x6b: {  	s25 =	sadd.s32 $0x680, s17;
	s5 =	sshll.u32 s5, $0x4;
	s30 =	spop (v2sf);
	(v2sf) =	vpush v1, $0xF  }
0x6c: {  	s5 =	sand.u32 $0x1FFFFFF0, s5;
	s30 =	sshll.u32 s30, $0x4;
	s31 =	spop (v2sf)  }
0x6d: {  	s5 =	sadd.s32 s3, s5;
	s6 =	sand.u32 $0x1FFFFFF0, s30;
	s30 =	spop (v2sf)  }
0x6e: {  	s31 =	sshll.u32 s31, $0x4;
	s30 =	sshll.u32 s30, $0x4;
	s12 =	spop (v2sf)  }
0x6f: {  	s8 =	sand.u32 $0x1FFFFFF0, s31;
	s7 =	sand.u32 $0x1FFFFFF0, s30;
	s12 =	sshll.u32 s12, $0x4;
	(v2sf) =	vpush v0, $0xF  }
0x70: {  	[tilespmem:s1], [sflag:$0x1] =	stream.linear.gather [hbm4b:s5+s2], $0x80, $0x38;
	[tilespmem:$0x10200] =	vst v63  }
0x71: {  	s30 =	sadd.s32 $0x600, s17;
	s31 =	sand.u32 $0x1FFFFFF0, s12;
	s1 =	spop (v2sf)  }
0x72: {  	s5 =	sadd.s32 $0x380, s17;
	s1 =	sshll.u32 s1, $0x4;
	s12 =	spop (v2sf)  }
0x73: {  	s1 =	sand.u32 $0x1FFFFFF0, s1;
	s12 =	sshll.u32 s12, $0x4;
	s9 =	spop (v2sf);
	(v2sf) =	vpush v2, $0xF  }
0x74: {  	s7 =	sadd.s32 s3, s7;
	s12 =	sand.u32 $0x1FFFFFF0, s12;
	s9 =	sshll.u32 s9, $0x4  }
0x75: {  	[tilespmem:s0], [sflag:$0x1] =	stream.linear.gather [hbm4b:s7+s2], $0x80, $0x38;
	(v2sf) =	vpush v3, $0xF;
	[tilespmem:$0x10200] =	vst v63  }
0x76: {  	s6 =	sadd.s32 s3, s6;
	s0 =	sand.u32 $0x1FFFFFF0, s9;
	s7 =	spop (v2sf)  }
0x77: {  	[tilespmem:s28], [sflag:$0x1] =	stream.linear.gather [hbm4b:s6+s2], $0x80, $0x38;
	[tilespmem:$0x10200] =	vst v63  }
0x78: {  	s6 =	sadd.s32 s3, s8;
	s28 =	sshll.u32 s7, $0x4;
	s7 =	spop (v2sf)  }
0x79: {  	[tilespmem:s5], [sflag:$0x1] =	stream.linear.gather [hbm4b:s6+s2], $0x80, $0x38;
	[tilespmem:$0x10200] =	vst v63  }
.Ltmp0:
0x7a: {  	(v2sf) =	vpush v4, $0xF;
	(pc) =	sbr.rel @p0 .LBB2_2-.Ltmp0, $4  }
0x7b: {  	s1 =	sadd.s32 s3, s1;
	s5 =	sshll.u32 s7, $0x4;
	s6 =	spop (v2sf)  }
0x7c: {  	[tilespmem:s26], [sflag:$0x1] =	stream.linear.gather [hbm4b:s1+s2], $0x80, $0x38;
	(v2sf) =	vpush v5, $0xF;
	[tilespmem:$0x10200] =	vst v63  }
0x7d: {  	s7 =	sadd.s32 s3, s12;
	s26 =	sand.u32 $0x1FFFFFF0, s5;
	s1 =	sshll.u32 s6, $0x4  }
0x7e: {  	[tilespmem:s29], [sflag:$0x1] =	stream.linear.gather [hbm4b:s7+s2], $0x80, $0x38;
	[tilespmem:$0x10200] =	vst v63  }
0x7f: {  	s5 =	sadd.s32 s3, s26;
	s1 =	sand.u32 $0x1FFFFFF0, s1;
	s6 =	spop (v2sf)  }
0x80: {  	[tilespmem:s22], [sflag:$0x1] =	stream.linear.gather [hbm4b:s5+s2], $0x80, $0x38;
	[tilespmem:$0x10200] =	vst v63  }
0x81: {  	s29 =	sand.u32 $0x1FFFFFF0, s28;
	s31 =	sadd.s32 s3, s31;
	s1 =	sadd.s32 s3, s1  }
0x82: {  	[tilespmem:s21], [sflag:$0x1] =	stream.linear.gather [hbm4b:s1+s2], $0x80, $0x38;
	[tilespmem:$0x10200] =	vst v63  }
0x83: {  	s0 =	sadd.s32 s3, s0;
	s6 =	sshll.u32 s6, $0x4;
	s7 =	spop (v2sf)  }
0x84: {  	[tilespmem:s30], [sflag:$0x1] =	stream.linear.gather [hbm4b:s31+s2], $0x80, $0x38;
	[tilespmem:$0x10200] =	vst v63  }
0x85: {  	s8 =	sadd.s32 s3, s29;
	s6 =	sand.u32 $0x1FFFFFF0, s6;
	s12 =	spop (v2sf)  }
0x86: {  	[tilespmem:s25], [sflag:$0x1] =	stream.linear.gather [hbm4b:s8+s2], $0x80, $0x38;
	[tilespmem:$0x10200] =	vst v63  }
0x87: {  	s21 =	sadd.s32 s3, s6;
	s9 =	sshll.u32 s7, $0x4;
	s18 =	sshll.u32 s12, $0x4  }
0x88: {  	[tilespmem:s24], [sflag:$0x1] =	stream.linear.gather [hbm4b:s0+s2], $0x80, $0x38;
	[tilespmem:$0x10200] =	vst v63  }
0x89: {  	s16 =	sand.u32 $0x1FFFFFF0, s9;
	s5 =	sand.u32 $0x1FFFFFF0, s18;
	s22 =	spop (v2sf)  }
0x8a: {  	[tilespmem:s23], [sflag:$0x1] =	stream.linear.gather [hbm4b:s21+s2], $0x80, $0x38;
	[tilespmem:$0x10200] =	vst v63  }
0x8b: {  	s23 =	sadd.s32 s3, s16;
	s24 =	sshll.u32 s22, $0x4;
	s25 =	spop (v2sf)  }
0x8c: {  	[tilespmem:s20], [sflag:$0x1] =	stream.linear.gather [hbm4b:s23+s2], $0x80, $0x38;
	[tilespmem:$0x10200] =	vst v63  }
0x8d: {  	s26 =	sadd.s32 s3, s5;
	s1 =	sand.u32 $0x1FFFFFF0, s24;
	s28 =	sshll.u32 s25, $0x4  }
0x8e: {  	[tilespmem:s19], [sflag:$0x1] =	stream.linear.gather [hbm4b:s26+s2], $0x80, $0x38;
	[tilespmem:$0x10200] =	vst v63  }
0x8f: {  	s29 =	sadd.s32 $0x900, s17;
	s1 =	sadd.s32 s3, s1;
	s5 =	sand.u32 $0x1FFFFFF0, s28  }
0x90: {  	[tilespmem:s29], [sflag:$0x1] =	stream.linear.gather [hbm4b:s1+s2], $0x80, $0x38;
	[tilespmem:$0x10200] =	vst v63  }
0x91: {  	s30 =	sadd.s32 $0x980, s17;
	s31 =	sadd.s32 s3, s5  }
0x92: {  	[tilespmem:s30], [sflag:$0x1] =	stream.linear.gather [hbm4b:s31+s2], $0x80, $0x38;
	[tilespmem:$0x10200] =	vst v63  }
0x93: {  	_ =	swait.ge [sflag:s11], $0x80  }
0x94: {  	s0 =	simm.s32 $0x1FF;
	[sflag:s11] =	ssyncset.done $0x0  }
.LBB2_4:
0x95: {  	p0 =	sne.s32 s0, $0x1;
	s0 =	sadd.s32 $0xFFFFFFFF, s0;
	[sflag:s11] =	ssyncadd.s32 $0xFFFFFF80  }
.Ltmp1:
0x96: {  	(pc) =	sbr.rel @p0 .LBB2_4-.Ltmp1, $3  }
0x97: {  	_ =	sdelay $0x1  }
0x98: {  	_ =	swait.ge [sflag:s11], $0x80  }
0x99: {  	[sflag:s11] =	ssyncset.done $0x0  }
0x9a: {  	[sflag:s11] =	ssyncadd.s32 $0xFFFFFF80  }
0x9b: {  	s0 =	simm.s32 $0x0;
	s1 =	rddreg [dreg:$0x5];
	s5 =	simm.s32 $0x200  }
0x9c: {  	[hbm4b:s1+s0] =	stream.linear.scatter [tilespmem:s5], [sflag:$0x2], $0x10000, $0x38;
	[tilespmem:$0x10200] =	vst v63  }
0x9d: {  	_ =	swait.ge [sflag:s13], $0x10000  }
0x9e: {  	[sflag:s13] =	ssyncset.done $0x0  }
0x9f: {  	s26 =	rddreg [dreg:$0x6];
	[sflag:s13] =	ssyncadd.s32 $0xFFFF0000  }
0xa0: {  	[tilespmem:s0], [sflag:$0x4] =	stream.linear.gather [hbm4b:s26+s0], $0x200, $0x38;
	[tilespmem:$0x10200] =	vst v63  }
0xa1: {  	_ =	swait.ge [sflag:s10], $0x200  }
0xa2: {  	[sflag:s10] =	ssyncset.done $0x0  }
0xa3: {  	[sflag:s10] =	ssyncadd.s32 $0xFFFFFE00  }
0xa4: {  	v0 =	vld [tilespmem:s0+$0x0];
	_ =	sdelay $0x4  }
0xa5: {  	v1 =	vnsel vm0, $0x0, v0  }
0xa6: {  	v2 =	vsel vm2, $0x0, v0;
	(xrf0) =	vadd.scan.msk.s32 $0xffff, v1  }
0xa7: {  	v40 =	vsel vm3, $0x0, v0;
	(xrf0) =	vadd.scan.msk.s32 $0xffff, v2  }
0xa8: {  	v41 =	vsel vm1, $0x0, v0;
	(xrf0) =	vadd.scan.msk.s32 $0xffff, v40  }
0xa9: {  	(xrf0) =	vadd.scan.msk.s32 $0xffff, v41;
	_ =	sdelay $0x2  }
0xaa: {  	v42, _, _ =	vpop (xrf0)  }
0xab: {  	v43 =	vsel vm8, $0x0, v0;
	(v2sf) =	vpush v42, $0xF;
	v44, _, _ =	vpop (xrf0)  }
0xac: {  	v3 =	vsel vm9, $0x0, v0;
	(xrf0) =	vadd.scan.msk.s32 $0xffff, v43;
	(v2sf) =	vpush v44, $0xF;
	v45, _, _ =	vpop (xrf0)  }
0xad: {  	v46 =	vsel vm5, $0x0, v0;
	(xrf0) =	vadd.scan.msk.s32 $0xffff, v3;
	v47, _, _ =	vpop (xrf0);
	(v2sf) =	vpush v45, $0xF  }
0xae: {  	v48 =	vsel vm4, $0x0, v0;
	(xrf0) =	vadd.scan.msk.s32 $0xffff, v46;
	(v2sf) =	vpush v47, $0xF  }
0xaf: {  	(xrf0) =	vadd.scan.msk.s32 $0xffff, v48;
	_ =	sdelay $0x1  }
0xb0: {  	v49 =	vsel vm10, $0x0, v0  }
0xb1: {  	v50 =	vsel vm11, $0x0, v0;
	(xrf0) =	vadd.scan.msk.s32 $0xffff, v49;
	v51, _, _ =	vpop (xrf0)  }
0xb2: {  	v52 =	vsel vm12, $0x0, v0;
	(xrf0) =	vadd.scan.msk.s32 $0xffff, v50;
	v53, _, _ =	vpop (xrf0)  }
0xb3: {  	v4 =	vsel vm13, $0x0, v0;
	(xrf0) =	vadd.scan.msk.s32 $0xffff, v52;
	(v2sf) =	vpush v51, $0xF;
	v54, _, _ =	vpop (xrf0)  }
0xb4: {  	v55 =	vsel vm14, $0x0, v0;
	(xrf0) =	vadd.scan.msk.s32 $0xffff, v4;
	v56, _, _ =	vpop (xrf0)  }
0xb5: {  	v5 =	vsel vm6, $0x0, v0;
	(xrf0) =	vadd.scan.msk.s32 $0xffff, v55;
	(v2sf) =	vpush v56, $0xF  }
0xb6: {  	v57 =	vsel vm7, $0x0, v0;
	(xrf0) =	vadd.scan.msk.s32 $0xffff, v5  }
0xb7: {  	s16 =	simm.s32 $0x2000;
	s17 =	simm.s32 $0x0;
	s21 =	simm.s32 $0x580;
	(xrf0) =	vadd.scan.msk.s32 $0xffff, v57;
	v58, _, _ =	vpop (xrf0);
	(v2sf) =	vpush v54, $0xF  }
0xb8: {  	s29 =	simm.s32 $0x200;
	s6 =	simm.s32 $0x280;
	s22 =	simm.s32 $0x500;
	v59, _, _ =	vpop (xrf0)  }
0xb9: {  	s8 =	simm.s32 $0x480;
	s20 =	simm.s32 $0x800;
	(v2sf) =	vpush v58, $0xF;
	v60, _, _ =	vpop (xrf0);
	s7 =	spop (v2sf)  }
0xba: {  	s19 =	simm.s32 $0x880;
	v61, _, _ =	vpop (xrf0);
	s7 =	sshll.u32 s7, $0x4;
	s9 =	spop (v2sf)  }
0xbb: {  	s18 =	simm.s32 $0x10;
	v62, _, _ =	vpop (xrf0);
	(v2sf) =	vpush v53, $0xF;
	s7 =	sand.u32 $0x1FFFFFF0, s7;
	s12 =	spop (v2sf)  }
0xbc: {  	s24 =	simm.s32 $0x700;
	v63, _, _ =	vpop (xrf0);
	s7 =	sadd.s32 s4, s7;
	s23 =	spop (v2sf)  }
0xbd: {  	v6, _, _ =	vpop (xrf0);
	(v2sf) =	vpush v63, $0xF;
	[tilespmem:s29], [sflag:$0x1] =	stream.linear.gather [hbm4b:s7+s2], $0x80, $0x38;
	[tilespmem:$0x10200] =	vst v63  }
0xbe: {  	s30 =	simm.s32 $0x600;
	s1 =	simm.s32 $0x400;
	(v2sf) =	vpush v6, $0xF;
	s7 =	sshll.u32 s23, $0x4  }
0xbf: {  	s0 =	simm.s32 $0x300;
	s25 =	sshll.u32 s9, $0x4;
	s5 =	sand.u32 $0x1FFFFFF0, s7  }
0xc0: {  	s26 =	sshll.u32 s12, $0x4;
	(v2sf) =	vpush v59, $0xF;
	s7 =	sand.u32 $0x1FFFFFF0, s25;
	s5 =	sadd.s32 s4, s5  }
0xc1: {  	[tilespmem:s6], [sflag:$0x1] =	stream.linear.gather [hbm4b:s5+s2], $0x80, $0x38;
	[tilespmem:$0x10200] =	vst v63  }
0xc2: {  	s9 =	sand.u32 $0x1FFFFFF0, s26;
	s7 =	sadd.s32 s4, s7;
	s29 =	spop (v2sf)  }
0xc3: {  	v0 =	vsel vm15, $0x0, v0;
	[tilespmem:s0], [sflag:$0x1] =	stream.linear.gather [hbm4b:s7+s2], $0x80, $0x38;
	[tilespmem:$0x10200] =	vst v63  }
0xc4: {  	(xrf0) =	vadd.scan.msk.s32 $0xffff, v0;
	(v2sf) =	vpush v60, $0xF;
	s25 =	simm.s32 $0x380;
	s6 =	sadd.s32 s4, s9;
	s12 =	spop (v2sf)  }
0xc5: {  	[tilespmem:s25], [sflag:$0x1] =	stream.linear.gather [hbm4b:s6+s2], $0x80, $0x38;
	[tilespmem:$0x10200] =	vst v63  }
0xc6: {  	s23 =	simm.s32 $0x780;
	(v2sf) =	vpush v61, $0xF;
	s0 =	sshll.u32 s12, $0x4;
	s26 =	spop (v2sf)  }
0xc7: {  	s5 =	sshll.u32 s29, $0x4;
	s0 =	sand.u32 $0x1FFFFFF0, s0;
	s6 =	sshll.u32 s26, $0x4  }
0xc8: {  	s29 =	spop (v2sf);
	s6 =	sand.u32 $0x1FFFFFF0, s6;
	s0 =	sadd.s32 s4, s0  }
0xc9: {  	[tilespmem:s1], [sflag:$0x1] =	stream.linear.gather [hbm4b:s0+s2], $0x80, $0x38;
	[tilespmem:$0x10200] =	vst v63  }
0xca: {  	s31 =	sand.u32 $0x1FFFFFF0, s5;
	s9 =	sadd.s32 s4, s6;
	s1 =	spop (v2sf);
	(v2sf) =	vpush v62, $0xF  }
0xcb: {  	v0, _, _ =	vpop (xrf0);
	[tilespmem:s8], [sflag:$0x1] =	stream.linear.gather [hbm4b:s9+s2], $0x80, $0x38;
	[tilespmem:$0x10200] =	vst v63  }
0xcc: {  	s25 =	simm.s32 $0x680;
	s12 =	sshll.u32 s29, $0x4;
	s26 =	spop (v2sf);
	(v2sf) =	vpush v0, $0xF  }
0xcd: {  	s0 =	sand.u32 $0x1FFFFFF0, s12;
	s5 =	sshll.u32 s26, $0x4;
	s29 =	spop (v2sf)  }
0xce: {  	s28 =	sshll.u32 s1, $0x4;
	s1 =	sand.u32 $0x1FFFFFF0, s5;
	s26 =	sshll.u32 s29, $0x4  }
.LBB2_6:
0xcf: {  	s1 =	sadd.s32 s4, s1;
	s5 =	sand.u32 $0x1FFFFFF0, s26;
	s6 =	spop (v2sf)  }
0xd0: {  	[tilespmem:s22], [sflag:$0x1] =	stream.linear.gather [hbm4b:s1+s2], $0x80, $0x38;
	[tilespmem:$0x10200] =	vst v63  }
0xd1: {  	s1 =	sadd.s32 s4, s5;
	s5 =	sand.u32 $0x1FFFFFF0, s28;
	s6 =	sshll.u32 s6, $0x4  }
0xd2: {  	[tilespmem:s21], [sflag:$0x1] =	stream.linear.gather [hbm4b:s1+s2], $0x80, $0x38;
	[tilespmem:$0x10200] =	vst v63  }
0xd3: {  	s6 =	sand.u32 $0x1FFFFFF0, s6;
	s1 =	sadd.s32 s4, s31;
	s7 =	spop (v2sf)  }
0xd4: {  	[tilespmem:s30], [sflag:$0x1] =	stream.linear.gather [hbm4b:s1+s2], $0x80, $0x38;
	[tilespmem:$0x10200] =	vst v63  }
0xd5: {  	s1 =	sadd.s32 s4, s5;
	s5 =	sshll.u32 s7, $0x4;
	s7 =	spop (v2sf)  }
0xd6: {  	[tilespmem:s25], [sflag:$0x1] =	stream.linear.gather [hbm4b:s1+s2], $0x80, $0x38;
	[tilespmem:$0x10200] =	vst v63  }
0xd7: {  	s0 =	sadd.s32 s4, s0;
	s1 =	sand.u32 $0x1FFFFFF0, s5;
	s5 =	sshll.u32 s7, $0x4  }
0xd8: {  	[tilespmem:s24], [sflag:$0x1] =	stream.linear.gather [hbm4b:s0+s2], $0x80, $0x38;
	[tilespmem:$0x10200] =	vst v63  }
0xd9: {  	s5 =	sand.u32 $0x1FFFFFF0, s5;
	s0 =	sadd.s32 s4, s6;
	s6 =	spop (v2sf)  }
0xda: {  	[tilespmem:s23], [sflag:$0x1] =	stream.linear.gather [hbm4b:s0+s2], $0x80, $0x38;
	[tilespmem:$0x10200] =	vst v63  }
0xdb: {  	s0 =	sadd.s32 s4, s1;
	s1 =	sshll.u32 s6, $0x4;
	s6 =	spop (v2sf)  }
0xdc: {  	[tilespmem:s20], [sflag:$0x1] =	stream.linear.gather [hbm4b:s0+s2], $0x80, $0x38;
	[tilespmem:$0x10200] =	vst v63  }
0xdd: {  	s1 =	sand.u32 $0x1FFFFFF0, s1;
	s0 =	sadd.s32 s4, s5;
	s5 =	sshll.u32 s6, $0x4  }
0xde: {  	[tilespmem:s19], [sflag:$0x1] =	stream.linear.gather [hbm4b:s0+s2], $0x80, $0x38;
	[tilespmem:$0x10200] =	vst v63  }
0xdf: {  	s1 =	sadd.s32 s4, s1;
	s5 =	sand.u32 $0x1FFFFFF0, s5;
	s0 =	sadd.s32 $0x900, s17  }
0xe0: {  	[tilespmem:s0], [sflag:$0x1] =	stream.linear.gather [hbm4b:s1+s2], $0x80, $0x38;
	[tilespmem:$0x10200] =	vst v63  }
0xe1: {  	p0 =	sne.s32 s16, $0x3E000;
	s0 =	sadd.s32 $0x980, s17;
	s1 =	sadd.s32 s4, s5  }
0xe2: {  	[tilespmem:s0], [sflag:$0x1] =	stream.linear.gather [hbm4b:s1+s2], $0x80, $0x38;
	[tilespmem:$0x10200] =	vst v63  }
0xe3: {  	s0 =	smov.u32 s16;
	s16 =	sadd.s32 $0x2000, s16;
	v0 =	vld [tilespmem:s18+$0x0];
	_ =	sdelay $0x4  }
0xe4: {  	v1 =	vnsel vm0, $0x0, v0;
	v2 =	vsel vm3, $0x0, v0;
	v3 =	vsel vm14, $0x0, v0  }
0xe5: {  	v4 =	vsel vm2, $0x0, v0;
	v5 =	vsel vm15, $0x0, v0;
	(xrf0) =	vadd.scan.msk.s32 $0xffff, v1  }
0xe6: {  	v6 =	vsel vm6, $0x0, v0;
	v1 =	vsel vm1, $0x0, v0;
	(xrf0) =	vadd.scan.msk.s32 $0xffff, v4  }
0xe7: {  	v4 =	vsel vm7, $0x0, v0;
	(xrf0) =	vadd.scan.msk.s32 $0xffff, v2  }
0xe8: {  	v2 =	vsel vm8, $0x0, v0;
	(xrf0) =	vadd.scan.msk.s32 $0xffff, v1  }
0xe9: {  	v1 =	vsel vm9, $0x0, v0;
	(xrf0) =	vadd.scan.msk.s32 $0xffff, v2  }
0xea: {  	v2 =	vsel vm5, $0x0, v0;
	(xrf0) =	vadd.scan.msk.s32 $0xffff, v1  }
0xeb: {  	v1 =	vsel vm4, $0x0, v0;
	v7, _, _ =	vpop (xrf0);
	(xrf0) =	vadd.scan.msk.s32 $0xffff, v2  }
0xec: {  	v2 =	vsel vm10, $0x0, v0;
	(v2sf) =	vpush v7, $0xF;
	v7, _, _ =	vpop (xrf0);
	(xrf0) =	vadd.scan.msk.s32 $0xffff, v1  }
0xed: {  	v9 =	vsel vm11, $0x0, v0;
	(v2sf) =	vpush v7, $0xF;
	v7, _, _ =	vpop (xrf0);
	(xrf0) =	vadd.scan.msk.s32 $0xffff, v2  }
0xee: {  	s17 =	sshra.s32 s0, $0x2;
	v2 =	vsel vm12, $0x0, v0;
	v8, _, _ =	vpop (xrf0);
	(v2sf) =	vpush v7, $0xF;
	(xrf0) =	vadd.scan.msk.s32 $0xffff, v9  }
0xef: {  	s28 =	sadd.s32 $0x300, s17;
	v7 =	vsel vm13, $0x0, v0;
	(v2sf) =	vpush v8, $0xF;
	v1, _, _ =	vpop (xrf0);
	(xrf0) =	vadd.scan.msk.s32 $0xffff, v2  }
0xf0: {  	s26 =	sadd.s32 $0x400, s17;
	s21 =	sadd.s32 $0x580, s17;
	(v2sf) =	vpush v1, $0xF;
	v1, _, _ =	vpop (xrf0);
	(xrf0) =	vadd.scan.msk.s32 $0xffff, v7  }
0xf1: {  	s1 =	sadd.s32 $0x200, s17;
	s0 =	sadd.s32 $0x280, s17;
	v0, _, _ =	vpop (xrf0);
	(xrf0) =	vadd.scan.msk.s32 $0xffff, v3  }
0xf2: {  	s22 =	sadd.s32 $0x500, s17;
	v2, _, _ =	vpop (xrf0);
	(xrf0) =	vadd.scan.msk.s32 $0xffff, v6  }
0xf3: {  	s29 =	sadd.s32 $0x480, s17;
	(v2sf) =	vpush v2, $0xF;
	(xrf0) =	vadd.scan.msk.s32 $0xffff, v4;
	v2, _, _ =	vpop (xrf0)  }
0xf4: {  	(v2sf) =	vpush v0, $0xF;
	v0, _, _ =	vpop (xrf0);
	(xrf0) =	vadd.scan.msk.s32 $0xffff, v5  }
0xf5: {  	(v2sf) =	vpush v2, $0xF;
	v2, _, _ =	vpop (xrf0)  }
0xf6: {  	v3, _, _ =	vpop (xrf0)  }
0xf7: {  	v4, _, _ =	vpop (xrf0)  }
0xf8: {  	v5, _, _ =	vpop (xrf0);
	(v2sf) =	vpush v1, $0xF  }
0xf9: {  	v1, _, _ =	vpop (xrf0)  }
0xfa: {  	s18 =	sadd.s32 $0x10, s18;
	s20 =	sadd.s32 $0x800, s17;
	s19 =	sadd.s32 $0x880, s17;
	(v2sf) =	vpush v5, $0xF;
	v5, _, _ =	vpop (xrf0)  }
0xfb: {  	s24 =	sadd.s32 $0x700, s17;
	s23 =	sadd.s32 $0x780, s17;
	s5 =	spop (v2sf)  }
0xfc: {  	s25 =	sadd.s32 $0x680, s17;
	s5 =	sshll.u32 s5, $0x4;
	s6 =	spop (v2sf);
	(v2sf) =	vpush v1, $0xF  }
0xfd: {  	s5 =	sand.u32 $0x1FFFFFF0, s5;
	s6 =	sshll.u32 s6, $0x4;
	s7 =	spop (v2sf)  }
0xfe: {  	s5 =	sadd.s32 s4, s5;
	s6 =	sand.u32 $0x1FFFFFF0, s6;
	s8 =	spop (v2sf)  }
0xff: {  	s7 =	sshll.u32 s7, $0x4;
	s8 =	sshll.u32 s8, $0x4;
	s9 =	spop (v2sf)  }
0x100: {  	s7 =	sand.u32 $0x1FFFFFF0, s7;
	s8 =	sand.u32 $0x1FFFFFF0, s8;
	s9 =	sshll.u32 s9, $0x4;
	(v2sf) =	vpush v0, $0xF  }
0x101: {  	[tilespmem:s1], [sflag:$0x1] =	stream.linear.gather [hbm4b:s5+s2], $0x80, $0x38;
	[tilespmem:$0x10200] =	vst v63  }
0x102: {  	s30 =	sadd.s32 $0x600, s17;
	s31 =	sand.u32 $0x1FFFFFF0, s9;
	s1 =	spop (v2sf)  }
0x103: {  	s5 =	sadd.s32 $0x380, s17;
	s1 =	sshll.u32 s1, $0x4;
	s9 =	spop (v2sf)  }
0x104: {  	s1 =	sand.u32 $0x1FFFFFF0, s1;
	s9 =	sshll.u32 s9, $0x4;
	s12 =	spop (v2sf);
	(v2sf) =	vpush v2, $0xF  }
0x105: {  	s8 =	sadd.s32 s4, s8;
	s9 =	sand.u32 $0x1FFFFFF0, s9;
	s12 =	sshll.u32 s12, $0x4  }
0x106: {  	[tilespmem:s0], [sflag:$0x1] =	stream.linear.gather [hbm4b:s8+s2], $0x80, $0x38;
	(v2sf) =	vpush v3, $0xF;
	[tilespmem:$0x10200] =	vst v63  }
0x107: {  	s6 =	sadd.s32 s4, s6;
	s0 =	sand.u32 $0x1FFFFFF0, s12;
	s8 =	spop (v2sf)  }
0x108: {  	[tilespmem:s28], [sflag:$0x1] =	stream.linear.gather [hbm4b:s6+s2], $0x80, $0x38;
	[tilespmem:$0x10200] =	vst v63  }
0x109: {  	s6 =	sadd.s32 s4, s7;
	s28 =	sshll.u32 s8, $0x4;
	s7 =	spop (v2sf)  }
0x10a: {  	[tilespmem:s5], [sflag:$0x1] =	stream.linear.gather [hbm4b:s6+s2], $0x80, $0x38;
	[tilespmem:$0x10200] =	vst v63  }
.Ltmp2:
0x10b: {  	(v2sf) =	vpush v4, $0xF;
	(pc) =	sbr.rel @p0 .LBB2_6-.Ltmp2, $4  }
0x10c: {  	s1 =	sadd.s32 s4, s1;
	s5 =	sshll.u32 s7, $0x4;
	s6 =	spop (v2sf)  }
0x10d: {  	[tilespmem:s26], [sflag:$0x1] =	stream.linear.gather [hbm4b:s1+s2], $0x80, $0x38;
	(v2sf) =	vpush v5, $0xF;
	[tilespmem:$0x10200] =	vst v63  }
0x10e: {  	s7 =	sadd.s32 s4, s9;
	s1 =	sand.u32 $0x1FFFFFF0, s5;
	s26 =	sshll.u32 s6, $0x4  }
0x10f: {  	[tilespmem:s29], [sflag:$0x1] =	stream.linear.gather [hbm4b:s7+s2], $0x80, $0x38;
	[tilespmem:$0x10200] =	vst v63  }
0x110: {  	s1 =	sadd.s32 s4, s1;
	s5 =	sand.u32 $0x1FFFFFF0, s26;
	s6 =	spop (v2sf)  }
0x111: {  	[tilespmem:s22], [sflag:$0x1] =	stream.linear.gather [hbm4b:s1+s2], $0x80, $0x38;
	[tilespmem:$0x10200] =	vst v63  }
0x112: {  	s29 =	sand.u32 $0x1FFFFFF0, s28;
	s31 =	sadd.s32 s4, s31;
	s26 =	sadd.s32 s4, s5  }
0x113: {  	[tilespmem:s21], [sflag:$0x1] =	stream.linear.gather [hbm4b:s26+s2], $0x80, $0x38;
	[tilespmem:$0x10200] =	vst v63  }
0x114: {  	s0 =	sadd.s32 s4, s0;
	s6 =	sshll.u32 s6, $0x4;
	s7 =	spop (v2sf)  }
0x115: {  	[tilespmem:s30], [sflag:$0x1] =	stream.linear.gather [hbm4b:s31+s2], $0x80, $0x38;
	[tilespmem:$0x10200] =	vst v63  }
0x116: {  	s8 =	sadd.s32 s4, s29;
	s6 =	sand.u32 $0x1FFFFFF0, s6;
	s12 =	spop (v2sf)  }
0x117: {  	[tilespmem:s25], [sflag:$0x1] =	stream.linear.gather [hbm4b:s8+s2], $0x80, $0x38;
	[tilespmem:$0x10200] =	vst v63  }
0x118: {  	s21 =	sadd.s32 s4, s6;
	s9 =	sshll.u32 s7, $0x4;
	s18 =	sshll.u32 s12, $0x4  }
0x119: {  	[tilespmem:s24], [sflag:$0x1] =	stream.linear.gather [hbm4b:s0+s2], $0x80, $0x38;
	[tilespmem:$0x10200] =	vst v63  }
0x11a: {  	s16 =	sand.u32 $0x1FFFFFF0, s9;
	s5 =	sand.u32 $0x1FFFFFF0, s18;
	s22 =	spop (v2sf)  }
0x11b: {  	[tilespmem:s23], [sflag:$0x1] =	stream.linear.gather [hbm4b:s21+s2], $0x80, $0x38;
	[tilespmem:$0x10200] =	vst v63  }
0x11c: {  	s23 =	sadd.s32 s4, s16;
	s24 =	sshll.u32 s22, $0x4;
	s25 =	spop (v2sf)  }
0x11d: {  	[tilespmem:s20], [sflag:$0x1] =	stream.linear.gather [hbm4b:s23+s2], $0x80, $0x38;
	[tilespmem:$0x10200] =	vst v63  }
0x11e: {  	s26 =	sadd.s32 s4, s5;
	s1 =	sand.u32 $0x1FFFFFF0, s24;
	s28 =	sshll.u32 s25, $0x4  }
0x11f: {  	[tilespmem:s19], [sflag:$0x1] =	stream.linear.gather [hbm4b:s26+s2], $0x80, $0x38;
	[tilespmem:$0x10200] =	vst v63  }
0x120: {  	s29 =	sadd.s32 $0x900, s17;
	s1 =	sadd.s32 s4, s1;
	s5 =	sand.u32 $0x1FFFFFF0, s28  }
0x121: {  	[tilespmem:s29], [sflag:$0x1] =	stream.linear.gather [hbm4b:s1+s2], $0x80, $0x38;
	[tilespmem:$0x10200] =	vst v63  }
0x122: {  	s30 =	sadd.s32 $0x980, s17;
	s31 =	sadd.s32 s4, s5  }
0x123: {  	[tilespmem:s30], [sflag:$0x1] =	stream.linear.gather [hbm4b:s31+s2], $0x80, $0x38;
	[tilespmem:$0x10200] =	vst v63  }
0x124: {  	_ =	swait.ge [sflag:s11], $0x80  }
0x125: {  	s0 =	simm.s32 $0x1FF;
	[sflag:s11] =	ssyncset.done $0x0  }
.LBB2_8:
0x126: {  	p0 =	sne.s32 s0, $0x1;
	s0 =	sadd.s32 $0xFFFFFFFF, s0;
	[sflag:s11] =	ssyncadd.s32 $0xFFFFFF80  }
.Ltmp3:
0x127: {  	(pc) =	sbr.rel @p0 .LBB2_8-.Ltmp3, $3  }
0x128: {  	_ =	sdelay $0x1  }
0x129: {  	_ =	swait.ge [sflag:s11], $0x80  }
0x12a: {  	[sflag:s11] =	ssyncset.done $0x0  }
0x12b: {  	[sflag:s11] =	ssyncadd.s32 $0xFFFFFF80;
	s0 =	rddreg [dreg:$0x7];
	s1 =	simm.s32 $0x200  }
0x12c: {  	[hbm4b:s0+s2] =	stream.linear.scatter [tilespmem:s1], [sflag:$0x3], $0x10000, $0x38;
	[tilespmem:$0x10200] =	vst v63  }
0x12d: {  	_ =	swait.ge [sflag:s14], $0x10000  }
0x12e: {  	s15 =	sadd.s32 $0x1, s15;
	s31 =	rddreg [dreg:$0x8]  }
0x12f: {  	p0 =	sne.s32 s15, s31  }
.Ltmp4:
0x130: {  	_ = 	snop;
	(pc) =	sbr.rel @p0 .LBB2_1-.Ltmp4, $3  }
0x131: {  	_ =	sdelay $0x1  }
0x132: {  	[sflag:s14] =	ssyncset.done $0x0  }
0x133: {  	[sflag:s14] =	ssyncadd.s32 $0xFFFF0000  }
0x134: {  	_ =	sfence.sel $0x180000  }
0x135: {  	[bflag:$0x0] =	sbarrier.arrive $0xFFFF  }
0x136: {  	_ =	strace $0x90000047  }
0x137: {  	s0 =	stileid.u32;
	[bflag:$0x2] =	sbarrier.arrive $0xFFFF  }
0x138: {  	p0 =	sne.s32 s0, $0x0;
	s0 =	rddreg [dreg:$0x3]  }
0x139: {  	s0 =	sadd.s32 @!p0 $0x100000, s0  }
0x13a: {  	[sflag:s0] =	ssyncadd.tile.s32 @!p0 $0x1;
	_ =	shalt  }
.Lfunc_end2:
_tile_overlayer_lowered:
.L_overlay_start_2:
0x13b: {  	(tag) =	ssettag $0x2  }
0x13c: {  	s0 =	rddreg [dreg:$0x0];
	s2 =	stileid.u32  }
0x13d: {  	s1 =	rddreg [dreg:$0x1];
	p0 =	sne.s32 s2, $0x0  }
0x13e: {  	s3 =	rddreg [dreg:$0x2];
	[bflag:$0x3] =	sbarrier.arrive $0xFFFF;
	s2 =	simm.s32 @!p0 $0x1C04  }
0x13f: {  	[timem:s3], [sflag:s2] =	dma.local @!p0 [hbm:s0], s1  }
0x140: {  	s0 =	simm.s32 @!p0 $0x4  }
0x141: {  	_ =	swait.ge @!p0 [sflag:s0], s1  }
0x142: {  	s1 =	ssub.s32 @!p0 $0x0, s1;
	[sflag:s0] =	ssyncset.done @!p0 $0x0  }
0x143: {  	[sflag:s0] =	ssyncadd.s32 @!p0 s1  }
0x144: {  	[bflag:$0x3] =	sbarrier.arrive $0xFFFF  }
0x145: {  	_ =	shalt  }

</sc_bundles>
